<compile_context>
chip_gen: v7x
topology: tpu7x:2x2x1
jax: 0.10.2.dev20260603
libtpu: 0.0.44.dev20260713+nightly
codegen_flags: <defaults>
</compile_context>

<pallas_src>
import functools

import jax
import jax.numpy as jnp
from jax import lax
from jax.experimental import pallas as pl
from jax.experimental.pallas import tpu as pltpu
from jax.experimental.pallas import tpu_sc as plsc

_VOCAB = 30522
_HID = 768
_S = 128
_B = 1024
_EPS = 1e-12
_L = 16
_NW = 32
_SEQ_PER_W = _B // _NW
_NCHUNK = _S // _L
_JV = _HID // _L
_UNROLL = 8


def _rsqrt16(x):
    i = plsc.bitcast(x, jnp.int32)
    i = jnp.int32(0x5F3759DF) - lax.shift_right_logical(i, 1)
    y = plsc.bitcast(i, jnp.float32)
    for _ in range(4):
        y = y * (jnp.float32(1.5) - jnp.float32(0.5) * x * y * y)
    return y


def _body(ids_hbm, word_hbm, pos_hbm, tt_hbm, g_hbm, b_hbm, out_hbm,
          pos_v, rows_v, idx_v, tt_v, g_v, b_v, gsem):
    cid = lax.axis_index("c")
    sid = lax.axis_index("s")
    wid = sid * 2 + cid

    pltpu.sync_copy(tt_hbm, tt_v)
    pltpu.sync_copy(g_hbm, g_v)
    pltpu.sync_copy(b_hbm, b_v)

    iota = lax.iota(jnp.int32, _L)
    zeros_i = jnp.zeros((_L,), jnp.int32)
    inv_hid = jnp.float32(1.0 / _HID)

    def chunk_body(sci, _):
        pltpu.sync_copy(pos_hbm.at[pl.ds(sci * _L, _L)], pos_v)

        def ttadd(jv, _):
            t = tt_v[pl.ds(jv * _L, _L)]
            for r in range(_L):
                pos_v[r, pl.ds(jv * _L, _L)] = pos_v[r, pl.ds(jv * _L, _L)] + t
            return 0

        lax.fori_loop(0, _JV, ttadd, 0, unroll=False)

        def seq_body(b, _):
            base = (wid * _SEQ_PER_W + b) * _S + sci * _L
            pltpu.sync_copy(ids_hbm.at[pl.ds(base, _L)], idx_v)
            pltpu.async_copy(word_hbm.at[idx_v], rows_v, gsem).wait()

            def p1(jb, carry):
                acc, acc2 = carry
                j0 = jb * _UNROLL
                for u in range(_UNROLL):
                    jj = zeros_i + (j0 + u)
                    x = plsc.load_gather(rows_v, [iota, jj])
                    p = plsc.load_gather(pos_v, [iota, jj])
                    x = x + p
                    plsc.store_scatter(rows_v, [iota, jj], x)
                    acc = acc + x
                    acc2 = acc2 + x * x
                return acc, acc2

            zf = jnp.zeros((_L,), jnp.float32)
            acc, acc2 = lax.fori_loop(0, _HID // _UNROLL, p1, (zf, zf),
                                      unroll=False)
            mean = acc * inv_hid
            var = acc2 * inv_hid - mean * mean
            rs = _rsqrt16(var + jnp.float32(_EPS))

            def p2(jb, _):
                j0 = jb * _L
                gvec = g_v[pl.ds(j0, _L)]
                bvec = b_v[pl.ds(j0, _L)]
                for u in range(_L):
                    jj = zeros_i + (j0 + u)
                    x = plsc.load_gather(rows_v, [iota, jj])
                    y = (x - mean) * (rs * gvec[u]) + bvec[u]
                    plsc.store_scatter(rows_v, [iota, jj], y)
                return 0

            lax.fori_loop(0, _HID // _L, p2, 0, unroll=False)
            pltpu.sync_copy(rows_v, out_hbm.at[pl.ds(base, _L)])
            return 0

        lax.fori_loop(0, _SEQ_PER_W, seq_body, 0, unroll=False)
        return 0

    lax.fori_loop(0, _NCHUNK, chunk_body, 0, unroll=False)


def kernel(input_ids, word_embeddings, position_embeddings,
           token_type_embeddings, ln_gamma, ln_beta):
    ids = input_ids.reshape(-1).astype(jnp.int32)
    pos = position_embeddings[:_S]
    tt = token_type_embeddings[0]

    mesh = plsc.VectorSubcoreMesh(core_axis_name="c", subcore_axis_name="s")
    call = pl.kernel(
        _body,
        out_type=jax.ShapeDtypeStruct((_B * _S, _HID), jnp.float32),
        mesh=mesh,
        compiler_params=pltpu.CompilerParams(needs_layout_passes=False),
        scratch_types=[
            pltpu.VMEM((_L, _HID), jnp.float32),
            pltpu.VMEM((_L, _HID), jnp.float32),
            pltpu.VMEM((_L,), jnp.int32),
            pltpu.VMEM((_HID,), jnp.float32),
            pltpu.VMEM((_HID,), jnp.float32),
            pltpu.VMEM((_HID,), jnp.float32),
            pltpu.SemaphoreType.DMA,
        ],
    )
    out = call(ids, word_embeddings, pos, tt, ln_gamma, ln_beta)
    return out.reshape(_B, _S, _HID)

# --- scband reference (transcript-rebuilt; emitter-appended) ---
"""Pipeline reference for scband-bert-embeddings-25074019074435 (READ-ONLY COPY).

The authoritative reference and input builder live on the scoring server;
editing this copy changes nothing except your own understanding.
"""

import jax, jax.numpy as jnp
import numpy as np

VOCAB = 30522
HID = 768
MAXPOS = 512
TYPES = 2
EPS = 1e-12
B = 1024
S = 128


def setup_inputs(seed: int = 0) -> dict:
    key = jax.random.key(seed)
    k1, k2, k3, k4 = jax.random.split(key, 4)
    input_ids = jax.random.randint(k1, (B, S), 0, VOCAB, dtype=jnp.int64) if jax.config.jax_enable_x64 else jax.random.randint(k1, (B, S), 0, VOCAB, dtype=jnp.int32)
    word_embeddings = jax.random.normal(k2, (VOCAB, HID), dtype=jnp.float32) * 0.02
    # padding_idx=0 row is zero-initialized in torch.nn.Embedding
    word_embeddings = word_embeddings.at[0].set(0.0)
    position_embeddings = jax.random.normal(k3, (MAXPOS, HID), dtype=jnp.float32) * 0.02
    token_type_embeddings = jax.random.normal(k4, (TYPES, HID), dtype=jnp.float32) * 0.02
    ln_gamma = jnp.ones((HID,), dtype=jnp.float32)
    ln_beta = jnp.zeros((HID,), dtype=jnp.float32)
    return {
        "input_ids": input_ids,
        "word_embeddings": word_embeddings,
        "position_embeddings": position_embeddings,
        "token_type_embeddings": token_type_embeddings,
        "ln_gamma": ln_gamma,
        "ln_beta": ln_beta,
    }


def reference(input_ids, word_embeddings, position_embeddings, token_type_embeddings, ln_gamma, ln_beta):
    seq_length = input_ids.shape[1]
    # gather word embeddings (SparseCore-friendly lookup)
    inputs_embeds = jnp.take(word_embeddings, input_ids, axis=0)
    # token_type_embeddings.weight[0].unsqueeze(0).unsqueeze(0)
    tt = token_type_embeddings[0][None, None, :]
    # position_embeddings.weight[:seq_length].unsqueeze(0)
    pos = position_embeddings[:seq_length][None, :, :]
    embeddings = inputs_embeds + tt + pos
    # LayerNorm(eps=1e-12)
    mean = jnp.mean(embeddings, axis=-1, keepdims=True)
    var = jnp.mean((embeddings - mean) ** 2, axis=-1, keepdims=True)
    normed = (embeddings - mean) / jnp.sqrt(var + EPS)
    out = normed * ln_gamma + ln_beta
    # dropout is identity in eval mode
    return out

if __name__ == "__main__":
    import jax
    _d = setup_inputs()
    print(jax.jit(kernel)(*tuple(_d.values())))

</pallas_src>

<mosaic_0001>
#map = affine_map<(d0, d1) -> (0)>
#map1 = affine_map<(d0, d1) -> (0, 0)>
module attributes {stable_mosaic.version = 14 : i64} {
  func.func @_body(%arg0: i32, %arg1: i32, %arg2: memref<131072xi32, #tpu.memory_space<hbm>>, %arg3: memref<30522x768xf32, #tpu.memory_space<hbm>>, %arg4: memref<128x768xf32, #tpu.memory_space<hbm>>, %arg5: memref<768xf32, #tpu.memory_space<hbm>>, %arg6: memref<768xf32, #tpu.memory_space<hbm>>, %arg7: memref<768xf32, #tpu.memory_space<hbm>>, %arg8: memref<131072x768xf32, #tpu.memory_space<hbm>>, %arg9: memref<16x768xf32, #tpu.memory_space<vmem>>, %arg10: memref<16x768xf32, #tpu.memory_space<vmem>>, %arg11: memref<16xi32, #tpu.memory_space<vmem>>, %arg12: memref<768xf32, #tpu.memory_space<vmem>>, %arg13: memref<768xf32, #tpu.memory_space<vmem>>, %arg14: memref<768xf32, #tpu.memory_space<vmem>>, %arg15: memref<!tpu.dma_semaphore, #tpu.memory_space<semaphore_mem>>) attributes {dimension_semantics = [#tpu.dimension_semantics<core_parallel>, #tpu.dimension_semantics<subcore_parallel>], iteration_bounds = array<i64: 2, 16>, scalar_prefetch = 0 : i64, scratch_operands = 7 : i64, tpu.core_type = #tpu.core_type<sc_vector_subcore>, window_params = [{transform_indices = #map}, {transform_indices = #map1}, {transform_indices = #map1}, {transform_indices = #map}, {transform_indices = #map}, {transform_indices = #map}, {transform_indices = #map1}]} {
    %mul3A = arith.constant 2 : i32
    %mul3A_0 = arith.muli %arg1, %mul3A : i32
    %add3A = arith.addi %mul3A_0, %arg0 : i32
    "tpu.region"() ({
      %run_scoped3A = tpu.sem_alloc : memref<!tpu.dma_semaphore, #tpu.memory_space<semaphore_mem>>
      tpu.enqueue_dma source(%arg5 : memref<768xf32, #tpu.memory_space<hbm>>) target(%arg12 : memref<768xf32, #tpu.memory_space<vmem>>) target_semaphore(%run_scoped3A : memref<!tpu.dma_semaphore, #tpu.memory_space<semaphore_mem>>)
      tpu.wait_dma2 semaphore(%run_scoped3A : memref<!tpu.dma_semaphore, #tpu.memory_space<semaphore_mem>>) src(%arg5 : memref<768xf32, #tpu.memory_space<hbm>>) dst(%arg12 : memref<768xf32, #tpu.memory_space<vmem>>)
      tpu.yield
    }) : () -> ()
    "tpu.region"() ({
      %run_scoped3A = tpu.sem_alloc : memref<!tpu.dma_semaphore, #tpu.memory_space<semaphore_mem>>
      tpu.enqueue_dma source(%arg6 : memref<768xf32, #tpu.memory_space<hbm>>) target(%arg13 : memref<768xf32, #tpu.memory_space<vmem>>) target_semaphore(%run_scoped3A : memref<!tpu.dma_semaphore, #tpu.memory_space<semaphore_mem>>)
      tpu.wait_dma2 semaphore(%run_scoped3A : memref<!tpu.dma_semaphore, #tpu.memory_space<semaphore_mem>>) src(%arg6 : memref<768xf32, #tpu.memory_space<hbm>>) dst(%arg13 : memref<768xf32, #tpu.memory_space<vmem>>)
      tpu.yield
    }) : () -> ()
    "tpu.region"() ({
      %run_scoped3A = tpu.sem_alloc : memref<!tpu.dma_semaphore, #tpu.memory_space<semaphore_mem>>
      tpu.enqueue_dma source(%arg7 : memref<768xf32, #tpu.memory_space<hbm>>) target(%arg14 : memref<768xf32, #tpu.memory_space<vmem>>) target_semaphore(%run_scoped3A : memref<!tpu.dma_semaphore, #tpu.memory_space<semaphore_mem>>)
      tpu.wait_dma2 semaphore(%run_scoped3A : memref<!tpu.dma_semaphore, #tpu.memory_space<semaphore_mem>>) src(%arg7 : memref<768xf32, #tpu.memory_space<hbm>>) dst(%arg14 : memref<768xf32, #tpu.memory_space<vmem>>)
      tpu.yield
    }) : () -> ()
    %iota3A = tpu.iota {dimensions = array<i32: 0>} : vector<16xi32>
    %broadcast_in_dim3A = arith.constant 0 : i32
    %broadcast_in_dim3A_1 = vector.broadcast %broadcast_in_dim3A : i32 to vector<16xi32>
    %scan3A = arith.constant 0.00130208337 : f32
    %scan3A_2 = arith.constant 0 : i32
    %scan3A_3 = arith.constant 0 : i32
    %scan3A_4 = arith.constant 8 : i32
    %scan3A_5 = arith.addi %scan3A_3, %scan3A_4 : i32
    %scan3A_6 = arith.constant 1 : i32
    %scan3A_7 = scf.for %scan3A_9 = %scan3A_3 to %scan3A_5 step %scan3A_6 iter_args(%scan3A_10 = %scan3A_2) -> (i32)  : i32 {
      %mul3A_11 = arith.constant 16 : i32
      %mul3A_12 = arith.muli %scan3A_9, %mul3A_11 : i32
      "tpu.region"() ({
        %run_scoped3A = tpu.sem_alloc : memref<!tpu.dma_semaphore, #tpu.memory_space<semaphore_mem>>
        %dma_start3A = arith.constant 0 : i32
        %dma_start3A_28 = tpu.memref_slice %arg4[%mul3A_12, %dma_start3A] : memref<128x768xf32, #tpu.memory_space<hbm>> -> memref<16x768xf32, #tpu.memory_space<hbm>>
        %dma_start3A_29 = arith.constant 0 : i32
        %dma_start3A_30 = tpu.memref_slice %arg4[%mul3A_12, %dma_start3A_29] : memref<128x768xf32, #tpu.memory_space<hbm>> -> memref<16x768xf32, #tpu.memory_space<hbm>>
        tpu.enqueue_dma source(%dma_start3A_30 : memref<16x768xf32, #tpu.memory_space<hbm>>) target(%arg9 : memref<16x768xf32, #tpu.memory_space<vmem>>) target_semaphore(%run_scoped3A : memref<!tpu.dma_semaphore, #tpu.memory_space<semaphore_mem>>)
        %dma_wait3A = arith.constant 0 : i32
        %dma_wait3A_31 = tpu.memref_slice %arg4[%mul3A_12, %dma_wait3A] : memref<128x768xf32, #tpu.memory_space<hbm>> -> memref<16x768xf32, #tpu.memory_space<hbm>>
        %dma_wait3A_32 = arith.constant 0 : i32
        %dma_wait3A_33 = tpu.memref_slice %arg4[%mul3A_12, %dma_wait3A_32] : memref<128x768xf32, #tpu.memory_space<hbm>> -> memref<16x768xf32, #tpu.memory_space<hbm>>
        tpu.wait_dma2 semaphore(%run_scoped3A : memref<!tpu.dma_semaphore, #tpu.memory_space<semaphore_mem>>) src(%dma_wait3A_33 : memref<16x768xf32, #tpu.memory_space<hbm>>) dst(%arg9 : memref<16x768xf32, #tpu.memory_space<vmem>>)
        tpu.yield
      }) : () -> ()
      %scan3A_13 = arith.constant 0 : i32
      %scan3A_14 = arith.constant 0 : i32
      %scan3A_15 = arith.constant 48 : i32
      %scan3A_16 = arith.addi %scan3A_14, %scan3A_15 : i32
      %scan3A_17 = arith.constant 1 : i32
      %scan3A_18 = scf.for %scan3A_28 = %scan3A_14 to %scan3A_16 step %scan3A_17 iter_args(%scan3A_29 = %scan3A_13) -> (i32)  : i32 {
        %mul3A_30 = arith.constant 16 : i32
        %mul3A_31 = arith.muli %scan3A_28, %mul3A_30 : i32
        %get3A = arith.index_cast %mul3A_31 : i32 to index
        %get3A_32 = tpu.vector_load %arg12[%get3A] {strides = array<i32>} : memref<768xf32, #tpu.memory_space<vmem>>, vector<16xf32>,
        %mul3A_33 = arith.constant 16 : i32
        %mul3A_34 = arith.muli %scan3A_28, %mul3A_33 : i32
        %get3A_35 = arith.constant 0 : i32
        %get3A_36 = arith.index_cast %get3A_35 : i32 to index
        %get3A_37 = arith.index_cast %mul3A_34 : i32 to index
        %get3A_38 = tpu.vector_load %arg9[%get3A_36, %get3A_37] {strides = array<i32>} : memref<16x768xf32, #tpu.memory_space<vmem>>, vector<16xf32>,
        %add3A_39 = arith.addf %get3A_38, %get3A_32 : vector<16xf32>
        %mul3A_40 = arith.constant 16 : i32
        %mul3A_41 = arith.muli %scan3A_28, %mul3A_40 : i32
        %swap3A = arith.constant 0 : i32
        %swap3A_42 = arith.index_cast %swap3A : i32 to index
        %swap3A_43 = arith.index_cast %mul3A_41 : i32 to index
        %swap3A_44 = tpu.vector_load %arg9[%swap3A_42, %swap3A_43] {strides = array<i32>} : memref<16x768xf32, #tpu.memory_space<vmem>>, vector<16xf32>,
        tpu.vector_store %arg9[%swap3A_42, %swap3A_43], %add3A_39 {strides = array<i32>} : memref<16x768xf32, #tpu.memory_space<vmem>>, vector<16xf32>,
        %mul3A_45 = arith.constant 16 : i32
        %mul3A_46 = arith.muli %scan3A_28, %mul3A_45 : i32
        %get3A_47 = arith.constant 1 : i32
        %get3A_48 = arith.index_cast %get3A_47 : i32 to index
        %get3A_49 = arith.index_cast %mul3A_46 : i32 to index
        %get3A_50 = tpu.vector_load %arg9[%get3A_48, %get3A_49] {strides = array<i32>} : memref<16x768xf32, #tpu.memory_space<vmem>>, vector<16xf32>,
        %add3A_51 = arith.addf %get3A_50, %get3A_32 : vector<16xf32>
        %mul3A_52 = arith.constant 16 : i32
        %mul3A_53 = arith.muli %scan3A_28, %mul3A_52 : i32
        %swap3A_54 = arith.constant 1 : i32
        %swap3A_55 = arith.index_cast %swap3A_54 : i32 to index
        %swap3A_56 = arith.index_cast %mul3A_53 : i32 to index
        %swap3A_57 = tpu.vector_load %arg9[%swap3A_55, %swap3A_56] {strides = array<i32>} : memref<16x768xf32, #tpu.memory_space<vmem>>, vector<16xf32>,
        tpu.vector_store %arg9[%swap3A_55, %swap3A_56], %add3A_51 {strides = array<i32>} : memref<16x768xf32, #tpu.memory_space<vmem>>, vector<16xf32>,
        %mul3A_58 = arith.constant 16 : i32
        %mul3A_59 = arith.muli %scan3A_28, %mul3A_58 : i32
        %get3A_60 = arith.constant 2 : i32
        %get3A_61 = arith.index_cast %get3A_60 : i32 to index
        %get3A_62 = arith.index_cast %mul3A_59 : i32 to index
        %get3A_63 = tpu.vector_load %arg9[%get3A_61, %get3A_62] {strides = array<i32>} : memref<16x768xf32, #tpu.memory_space<vmem>>, vector<16xf32>,
        %add3A_64 = arith.addf %get3A_63, %get3A_32 : vector<16xf32>
        %mul3A_65 = arith.constant 16 : i32
        %mul3A_66 = arith.muli %scan3A_28, %mul3A_65 : i32
        %swap3A_67 = arith.constant 2 : i32
        %swap3A_68 = arith.index_cast %swap3A_67 : i32 to index
        %swap3A_69 = arith.index_cast %mul3A_66 : i32 to index
        %swap3A_70 = tpu.vector_load %arg9[%swap3A_68, %swap3A_69] {strides = array<i32>} : memref<16x768xf32, #tpu.memory_space<vmem>>, vector<16xf32>,
        tpu.vector_store %arg9[%swap3A_68, %swap3A_69], %add3A_64 {strides = array<i32>} : memref<16x768xf32, #tpu.memory_space<vmem>>, vector<16xf32>,
        %mul3A_71 = arith.constant 16 : i32
        %mul3A_72 = arith.muli %scan3A_28, %mul3A_71 : i32
        %get3A_73 = arith.constant 3 : i32
        %get3A_74 = arith.index_cast %get3A_73 : i32 to index
        %get3A_75 = arith.index_cast %mul3A_72 : i32 to index
        %get3A_76 = tpu.vector_load %arg9[%get3A_74, %get3A_75] {strides = array<i32>} : memref<16x768xf32, #tpu.memory_space<vmem>>, vector<16xf32>,
        %add3A_77 = arith.addf %get3A_76, %get3A_32 : vector<16xf32>
        %mul3A_78 = arith.constant 16 : i32
        %mul3A_79 = arith.muli %scan3A_28, %mul3A_78 : i32
        %swap3A_80 = arith.constant 3 : i32
        %swap3A_81 = arith.index_cast %swap3A_80 : i32 to index
        %swap3A_82 = arith.index_cast %mul3A_79 : i32 to index
        %swap3A_83 = tpu.vector_load %arg9[%swap3A_81, %swap3A_82] {strides = array<i32>} : memref<16x768xf32, #tpu.memory_space<vmem>>, vector<16xf32>,
        tpu.vector_store %arg9[%swap3A_81, %swap3A_82], %add3A_77 {strides = array<i32>} : memref<16x768xf32, #tpu.memory_space<vmem>>, vector<16xf32>,
        %mul3A_84 = arith.constant 16 : i32
        %mul3A_85 = arith.muli %scan3A_28, %mul3A_84 : i32
        %get3A_86 = arith.constant 4 : i32
        %get3A_87 = arith.index_cast %get3A_86 : i32 to index
        %get3A_88 = arith.index_cast %mul3A_85 : i32 to index
        %get3A_89 = tpu.vector_load %arg9[%get3A_87, %get3A_88] {strides = array<i32>} : memref<16x768xf32, #tpu.memory_space<vmem>>, vector<16xf32>,
        %add3A_90 = arith.addf %get3A_89, %get3A_32 : vector<16xf32>
        %mul3A_91 = arith.constant 16 : i32
        %mul3A_92 = arith.muli %scan3A_28, %mul3A_91 : i32
        %swap3A_93 = arith.constant 4 : i32
        %swap3A_94 = arith.index_cast %swap3A_93 : i32 to index
        %swap3A_95 = arith.index_cast %mul3A_92 : i32 to index
        %swap3A_96 = tpu.vector_load %arg9[%swap3A_94, %swap3A_95] {strides = array<i32>} : memref<16x768xf32, #tpu.memory_space<vmem>>, vector<16xf32>,
        tpu.vector_store %arg9[%swap3A_94, %swap3A_95], %add3A_90 {strides = array<i32>} : memref<16x768xf32, #tpu.memory_space<vmem>>, vector<16xf32>,
        %mul3A_97 = arith.constant 16 : i32
        %mul3A_98 = arith.muli %scan3A_28, %mul3A_97 : i32
        %get3A_99 = arith.constant 5 : i32
        %get3A_100 = arith.index_cast %get3A_99 : i32 to index
        %get3A_101 = arith.index_cast %mul3A_98 : i32 to index
        %get3A_102 = tpu.vector_load %arg9[%get3A_100, %get3A_101] {strides = array<i32>} : memref<16x768xf32, #tpu.memory_space<vmem>>, vector<16xf32>,
        %add3A_103 = arith.addf %get3A_102, %get3A_32 : vector<16xf32>
        %mul3A_104 = arith.constant 16 : i32
        %mul3A_105 = arith.muli %scan3A_28, %mul3A_104 : i32
        %swap3A_106 = arith.constant 5 : i32
        %swap3A_107 = arith.index_cast %swap3A_106 : i32 to index
        %swap3A_108 = arith.index_cast %mul3A_105 : i32 to index
        %swap3A_109 = tpu.vector_load %arg9[%swap3A_107, %swap3A_108] {strides = array<i32>} : memref<16x768xf32, #tpu.memory_space<vmem>>, vector<16xf32>,
        tpu.vector_store %arg9[%swap3A_107, %swap3A_108], %add3A_103 {strides = array<i32>} : memref<16x768xf32, #tpu.memory_space<vmem>>, vector<16xf32>,
        %mul3A_110 = arith.constant 16 : i32
        %mul3A_111 = arith.muli %scan3A_28, %mul3A_110 : i32
        %get3A_112 = arith.constant 6 : i32
        %get3A_113 = arith.index_cast %get3A_112 : i32 to index
        %get3A_114 = arith.index_cast %mul3A_111 : i32 to index
        %get3A_115 = tpu.vector_load %arg9[%get3A_113, %get3A_114] {strides = array<i32>} : memref<16x768xf32, #tpu.memory_space<vmem>>, vector<16xf32>,
        %add3A_116 = arith.addf %get3A_115, %get3A_32 : vector<16xf32>
        %mul3A_117 = arith.constant 16 : i32
        %mul3A_118 = arith.muli %scan3A_28, %mul3A_117 : i32
        %swap3A_119 = arith.constant 6 : i32
        %swap3A_120 = arith.index_cast %swap3A_119 : i32 to index
        %swap3A_121 = arith.index_cast %mul3A_118 : i32 to index
        %swap3A_122 = tpu.vector_load %arg9[%swap3A_120, %swap3A_121] {strides = array<i32>} : memref<16x768xf32, #tpu.memory_space<vmem>>, vector<16xf32>,
        tpu.vector_store %arg9[%swap3A_120, %swap3A_121], %add3A_116 {strides = array<i32>} : memref<16x768xf32, #tpu.memory_space<vmem>>, vector<16xf32>,
        %mul3A_123 = arith.constant 16 : i32
        %mul3A_124 = arith.muli %scan3A_28, %mul3A_123 : i32
        %get3A_125 = arith.constant 7 : i32
        %get3A_126 = arith.index_cast %get3A_125 : i32 to index
        %get3A_127 = arith.index_cast %mul3A_124 : i32 to index
        %get3A_128 = tpu.vector_load %arg9[%get3A_126, %get3A_127] {strides = array<i32>} : memref<16x768xf32, #tpu.memory_space<vmem>>, vector<16xf32>,
        %add3A_129 = arith.addf %get3A_128, %get3A_32 : vector<16xf32>
        %mul3A_130 = arith.constant 16 : i32
        %mul3A_131 = arith.muli %scan3A_28, %mul3A_130 : i32
        %swap3A_132 = arith.constant 7 : i32
        %swap3A_133 = arith.index_cast %swap3A_132 : i32 to index
        %swap3A_134 = arith.index_cast %mul3A_131 : i32 to index
        %swap3A_135 = tpu.vector_load %arg9[%swap3A_133, %swap3A_134] {strides = array<i32>} : memref<16x768xf32, #tpu.memory_space<vmem>>, vector<16xf32>,
        tpu.vector_store %arg9[%swap3A_133, %swap3A_134], %add3A_129 {strides = array<i32>} : memref<16x768xf32, #tpu.memory_space<vmem>>, vector<16xf32>,
        %mul3A_136 = arith.constant 16 : i32
        %mul3A_137 = arith.muli %scan3A_28, %mul3A_136 : i32
        %get3A_138 = arith.constant 8 : i32
        %get3A_139 = arith.index_cast %get3A_138 : i32 to index
        %get3A_140 = arith.index_cast %mul3A_137 : i32 to index
        %get3A_141 = tpu.vector_load %arg9[%get3A_139, %get3A_140] {strides = array<i32>} : memref<16x768xf32, #tpu.memory_space<vmem>>, vector<16xf32>,
        %add3A_142 = arith.addf %get3A_141, %get3A_32 : vector<16xf32>
        %mul3A_143 = arith.constant 16 : i32
        %mul3A_144 = arith.muli %scan3A_28, %mul3A_143 : i32
        %swap3A_145 = arith.constant 8 : i32
        %swap3A_146 = arith.index_cast %swap3A_145 : i32 to index
        %swap3A_147 = arith.index_cast %mul3A_144 : i32 to index
        %swap3A_148 = tpu.vector_load %arg9[%swap3A_146, %swap3A_147] {strides = array<i32>} : memref<16x768xf32, #tpu.memory_space<vmem>>, vector<16xf32>,
        tpu.vector_store %arg9[%swap3A_146, %swap3A_147], %add3A_142 {strides = array<i32>} : memref<16x768xf32, #tpu.memory_space<vmem>>, vector<16xf32>,
        %mul3A_149 = arith.constant 16 : i32
        %mul3A_150 = arith.muli %scan3A_28, %mul3A_149 : i32
        %get3A_151 = arith.constant 9 : i32
        %get3A_152 = arith.index_cast %get3A_151 : i32 to index
        %get3A_153 = arith.index_cast %mul3A_150 : i32 to index
        %get3A_154 = tpu.vector_load %arg9[%get3A_152, %get3A_153] {strides = array<i32>} : memref<16x768xf32, #tpu.memory_space<vmem>>, vector<16xf32>,
        %add3A_155 = arith.addf %get3A_154, %get3A_32 : vector<16xf32>
        %mul3A_156 = arith.constant 16 : i32
        %mul3A_157 = arith.muli %scan3A_28, %mul3A_156 : i32
        %swap3A_158 = arith.constant 9 : i32
        %swap3A_159 = arith.index_cast %swap3A_158 : i32 to index
        %swap3A_160 = arith.index_cast %mul3A_157 : i32 to index
        %swap3A_161 = tpu.vector_load %arg9[%swap3A_159, %swap3A_160] {strides = array<i32>} : memref<16x768xf32, #tpu.memory_space<vmem>>, vector<16xf32>,
        tpu.vector_store %arg9[%swap3A_159, %swap3A_160], %add3A_155 {strides = array<i32>} : memref<16x768xf32, #tpu.memory_space<vmem>>, vector<16xf32>,
        %mul3A_162 = arith.constant 16 : i32
        %mul3A_163 = arith.muli %scan3A_28, %mul3A_162 : i32
        %get3A_164 = arith.constant 10 : i32
        %get3A_165 = arith.index_cast %get3A_164 : i32 to index
        %get3A_166 = arith.index_cast %mul3A_163 : i32 to index
        %get3A_167 = tpu.vector_load %arg9[%get3A_165, %get3A_166] {strides = array<i32>} : memref<16x768xf32, #tpu.memory_space<vmem>>, vector<16xf32>,
        %add3A_168 = arith.addf %get3A_167, %get3A_32 : vector<16xf32>
        %mul3A_169 = arith.constant 16 : i32
        %mul3A_170 = arith.muli %scan3A_28, %mul3A_169 : i32
        %swap3A_171 = arith.constant 10 : i32
        %swap3A_172 = arith.index_cast %swap3A_171 : i32 to index
        %swap3A_173 = arith.index_cast %mul3A_170 : i32 to index
        %swap3A_174 = tpu.vector_load %arg9[%swap3A_172, %swap3A_173] {strides = array<i32>} : memref<16x768xf32, #tpu.memory_space<vmem>>, vector<16xf32>,
        tpu.vector_store %arg9[%swap3A_172, %swap3A_173], %add3A_168 {strides = array<i32>} : memref<16x768xf32, #tpu.memory_space<vmem>>, vector<16xf32>,
        %mul3A_175 = arith.constant 16 : i32
        %mul3A_176 = arith.muli %scan3A_28, %mul3A_175 : i32
        %get3A_177 = arith.constant 11 : i32
        %get3A_178 = arith.index_cast %get3A_177 : i32 to index
        %get3A_179 = arith.index_cast %mul3A_176 : i32 to index
        %get3A_180 = tpu.vector_load %arg9[%get3A_178, %get3A_179] {strides = array<i32>} : memref<16x768xf32, #tpu.memory_space<vmem>>, vector<16xf32>,
        %add3A_181 = arith.addf %get3A_180, %get3A_32 : vector<16xf32>
        %mul3A_182 = arith.constant 16 : i32
        %mul3A_183 = arith.muli %scan3A_28, %mul3A_182 : i32
        %swap3A_184 = arith.constant 11 : i32
        %swap3A_185 = arith.index_cast %swap3A_184 : i32 to index
        %swap3A_186 = arith.index_cast %mul3A_183 : i32 to index
        %swap3A_187 = tpu.vector_load %arg9[%swap3A_185, %swap3A_186] {strides = array<i32>} : memref<16x768xf32, #tpu.memory_space<vmem>>, vector<16xf32>,
        tpu.vector_store %arg9[%swap3A_185, %swap3A_186], %add3A_181 {strides = array<i32>} : memref<16x768xf32, #tpu.memory_space<vmem>>, vector<16xf32>,
        %mul3A_188 = arith.constant 16 : i32
        %mul3A_189 = arith.muli %scan3A_28, %mul3A_188 : i32
        %get3A_190 = arith.constant 12 : i32
        %get3A_191 = arith.index_cast %get3A_190 : i32 to index
        %get3A_192 = arith.index_cast %mul3A_189 : i32 to index
        %get3A_193 = tpu.vector_load %arg9[%get3A_191, %get3A_192] {strides = array<i32>} : memref<16x768xf32, #tpu.memory_space<vmem>>, vector<16xf32>,
        %add3A_194 = arith.addf %get3A_193, %get3A_32 : vector<16xf32>
        %mul3A_195 = arith.constant 16 : i32
        %mul3A_196 = arith.muli %scan3A_28, %mul3A_195 : i32
        %swap3A_197 = arith.constant 12 : i32
        %swap3A_198 = arith.index_cast %swap3A_197 : i32 to index
        %swap3A_199 = arith.index_cast %mul3A_196 : i32 to index
        %swap3A_200 = tpu.vector_load %arg9[%swap3A_198, %swap3A_199] {strides = array<i32>} : memref<16x768xf32, #tpu.memory_space<vmem>>, vector<16xf32>,
        tpu.vector_store %arg9[%swap3A_198, %swap3A_199], %add3A_194 {strides = array<i32>} : memref<16x768xf32, #tpu.memory_space<vmem>>, vector<16xf32>,
        %mul3A_201 = arith.constant 16 : i32
        %mul3A_202 = arith.muli %scan3A_28, %mul3A_201 : i32
        %get3A_203 = arith.constant 13 : i32
        %get3A_204 = arith.index_cast %get3A_203 : i32 to index
        %get3A_205 = arith.index_cast %mul3A_202 : i32 to index
        %get3A_206 = tpu.vector_load %arg9[%get3A_204, %get3A_205] {strides = array<i32>} : memref<16x768xf32, #tpu.memory_space<vmem>>, vector<16xf32>,
        %add3A_207 = arith.addf %get3A_206, %get3A_32 : vector<16xf32>
        %mul3A_208 = arith.constant 16 : i32
        %mul3A_209 = arith.muli %scan3A_28, %mul3A_208 : i32
        %swap3A_210 = arith.constant 13 : i32
        %swap3A_211 = arith.index_cast %swap3A_210 : i32 to index
        %swap3A_212 = arith.index_cast %mul3A_209 : i32 to index
        %swap3A_213 = tpu.vector_load %arg9[%swap3A_211, %swap3A_212] {strides = array<i32>} : memref<16x768xf32, #tpu.memory_space<vmem>>, vector<16xf32>,
        tpu.vector_store %arg9[%swap3A_211, %swap3A_212], %add3A_207 {strides = array<i32>} : memref<16x768xf32, #tpu.memory_space<vmem>>, vector<16xf32>,
        %mul3A_214 = arith.constant 16 : i32
        %mul3A_215 = arith.muli %scan3A_28, %mul3A_214 : i32
        %get3A_216 = arith.constant 14 : i32
        %get3A_217 = arith.index_cast %get3A_216 : i32 to index
        %get3A_218 = arith.index_cast %mul3A_215 : i32 to index
        %get3A_219 = tpu.vector_load %arg9[%get3A_217, %get3A_218] {strides = array<i32>} : memref<16x768xf32, #tpu.memory_space<vmem>>, vector<16xf32>,
        %add3A_220 = arith.addf %get3A_219, %get3A_32 : vector<16xf32>
        %mul3A_221 = arith.constant 16 : i32
        %mul3A_222 = arith.muli %scan3A_28, %mul3A_221 : i32
        %swap3A_223 = arith.constant 14 : i32
        %swap3A_224 = arith.index_cast %swap3A_223 : i32 to index
        %swap3A_225 = arith.index_cast %mul3A_222 : i32 to index
        %swap3A_226 = tpu.vector_load %arg9[%swap3A_224, %swap3A_225] {strides = array<i32>} : memref<16x768xf32, #tpu.memory_space<vmem>>, vector<16xf32>,
        tpu.vector_store %arg9[%swap3A_224, %swap3A_225], %add3A_220 {strides = array<i32>} : memref<16x768xf32, #tpu.memory_space<vmem>>, vector<16xf32>,
        %mul3A_227 = arith.constant 16 : i32
        %mul3A_228 = arith.muli %scan3A_28, %mul3A_227 : i32
        %get3A_229 = arith.constant 15 : i32
        %get3A_230 = arith.index_cast %get3A_229 : i32 to index
        %get3A_231 = arith.index_cast %mul3A_228 : i32 to index
        %get3A_232 = tpu.vector_load %arg9[%get3A_230, %get3A_231] {strides = array<i32>} : memref<16x768xf32, #tpu.memory_space<vmem>>, vector<16xf32>,
        %add3A_233 = arith.addf %get3A_232, %get3A_32 : vector<16xf32>
        %mul3A_234 = arith.constant 16 : i32
        %mul3A_235 = arith.muli %scan3A_28, %mul3A_234 : i32
        %swap3A_236 = arith.constant 15 : i32
        %swap3A_237 = arith.index_cast %swap3A_236 : i32 to index
        %swap3A_238 = arith.index_cast %mul3A_235 : i32 to index
        %swap3A_239 = tpu.vector_load %arg9[%swap3A_237, %swap3A_238] {strides = array<i32>} : memref<16x768xf32, #tpu.memory_space<vmem>>, vector<16xf32>,
        tpu.vector_store %arg9[%swap3A_237, %swap3A_238], %add3A_233 {strides = array<i32>} : memref<16x768xf32, #tpu.memory_space<vmem>>, vector<16xf32>,
        %scan3A_240 = arith.constant 0 : i32
        scf.yield %scan3A_240 : i32
      }
      %scan3A_19 = arith.constant 48 : i32
      %scan3A_20 = arith.constant 0 : i32
      %scan3A_21 = arith.constant 0 : i32
      %scan3A_22 = arith.constant 32 : i32
      %scan3A_23 = arith.addi %scan3A_21, %scan3A_22 : i32
      %scan3A_24 = arith.constant 1 : i32
      %scan3A_25 = scf.for %scan3A_28 = %scan3A_21 to %scan3A_23 step %scan3A_24 iter_args(%scan3A_29 = %scan3A_20) -> (i32)  : i32 {
        %mul3A_30 = arith.constant 32 : i32
        %mul3A_31 = arith.muli %add3A, %mul3A_30 : i32
        %add3A_32 = arith.addi %mul3A_31, %scan3A_28 : i32
        %mul3A_33 = arith.constant 128 : i32
        %mul3A_34 = arith.muli %add3A_32, %mul3A_33 : i32
        %mul3A_35 = arith.constant 16 : i32
        %mul3A_36 = arith.muli %scan3A_9, %mul3A_35 : i32
        %add3A_37 = arith.addi %mul3A_34, %mul3A_36 : i32
        "tpu.region"() ({
          %run_scoped3A = tpu.sem_alloc : memref<!tpu.dma_semaphore, #tpu.memory_space<semaphore_mem>>
          %dma_start3A_108 = tpu.memref_slice %arg2[%add3A_37] : memref<131072xi32, #tpu.memory_space<hbm>> -> memref<16xi32, #tpu.memory_space<hbm>>
          %dma_start3A_109 = tpu.memref_slice %arg2[%add3A_37] : memref<131072xi32, #tpu.memory_space<hbm>> -> memref<16xi32, #tpu.memory_space<hbm>>
          tpu.enqueue_dma source(%dma_start3A_109 : memref<16xi32, #tpu.memory_space<hbm>>) target(%arg11 : memref<16xi32, #tpu.memory_space<vmem>>) target_semaphore(%run_scoped3A : memref<!tpu.dma_semaphore, #tpu.memory_space<semaphore_mem>>)
          %dma_wait3A_110 = tpu.memref_slice %arg2[%add3A_37] : memref<131072xi32, #tpu.memory_space<hbm>> -> memref<16xi32, #tpu.memory_space<hbm>>
          %dma_wait3A_111 = tpu.memref_slice %arg2[%add3A_37] : memref<131072xi32, #tpu.memory_space<hbm>> -> memref<16xi32, #tpu.memory_space<hbm>>
          tpu.wait_dma2 semaphore(%run_scoped3A : memref<!tpu.dma_semaphore, #tpu.memory_space<semaphore_mem>>) src(%dma_wait3A_111 : memref<16xi32, #tpu.memory_space<hbm>>) dst(%arg11 : memref<16xi32, #tpu.memory_space<vmem>>)
          tpu.yield
        }) : () -> ()
        %dma_start3A = arith.constant 0 : i32
        %dma_start3A_38 = arith.constant 0 : i32
        %dma_start3A_39 = tpu.memref_slice %arg3[%dma_start3A, %dma_start3A_38] : memref<30522x768xf32, #tpu.memory_space<hbm>> -> memref<30522x768xf32, #tpu.memory_space<hbm>>
        tpu.enqueue_indirect_dma source(%dma_start3A_39 : memref<30522x768xf32, #tpu.memory_space<hbm>>) target(%arg10 : memref<16x768xf32, #tpu.memory_space<vmem>>) offsets(%arg11 : memref<16xi32, #tpu.memory_space<vmem>>) semaphore(%arg15 : memref<!tpu.dma_semaphore, #tpu.memory_space<semaphore_mem>>)
        %dma_wait3A = arith.constant 0 : i32
        %dma_wait3A_40 = arith.constant 0 : i32
        %dma_wait3A_41 = tpu.memref_slice %arg3[%dma_wait3A, %dma_wait3A_40] : memref<30522x768xf32, #tpu.memory_space<hbm>> -> memref<30522x768xf32, #tpu.memory_space<hbm>>
        tpu.wait_indirect_dma semaphore(%arg15 : memref<!tpu.dma_semaphore, #tpu.memory_space<semaphore_mem>>) src(%dma_wait3A_41 : memref<30522x768xf32, #tpu.memory_space<hbm>>) dst(%arg10 : memref<16x768xf32, #tpu.memory_space<vmem>>)
        %broadcast_in_dim3A_42 = arith.constant 0.000000e+00 : f32
        %broadcast_in_dim3A_43 = vector.broadcast %broadcast_in_dim3A_42 : f32 to vector<16xf32>
        %scan3A_44 = arith.constant 0 : i32
        %scan3A_45 = arith.constant 96 : i32
        %scan3A_46 = arith.addi %scan3A_44, %scan3A_45 : i32
        %scan3A_47 = arith.constant 1 : i32
        %scan3A_48:2 = scf.for %scan3A_108 = %scan3A_44 to %scan3A_46 step %scan3A_47 iter_args(%scan3A_109 = %broadcast_in_dim3A_43, %scan3A_110 = %broadcast_in_dim3A_43) -> (vector<16xf32>, vector<16xf32>)  : i32 {
          %mul3A_111 = arith.constant 8 : i32
          %mul3A_112 = arith.muli %scan3A_108, %mul3A_111 : i32
          %add3A_113 = arith.constant 0 : i32
          %add3A_114 = arith.addi %mul3A_112, %add3A_113 : i32
          %add3A_115 = vector.broadcast %add3A_114 : i32 to vector<16xi32>
          %add3A_116 = arith.addi %broadcast_in_dim3A_1, %add3A_115 : vector<16xi32>
          %gather3A = tpu.vector_load_idx %arg10[%iota3A, %add3A_116] : memref<16x768xf32, #tpu.memory_space<vmem>>[vector<16xi32>, vector<16xi32>], vector<16xf32>,
          %gather3A_117 = tpu.vector_load_idx %arg9[%iota3A, %add3A_116] : memref<16x768xf32, #tpu.memory_space<vmem>>[vector<16xi32>, vector<16xi32>], vector<16xf32>,
          %add3A_118 = arith.addf %gather3A, %gather3A_117 : vector<16xf32>
          tpu.vector_store_idx %arg10[%iota3A, %add3A_116], %add3A_118 : memref<16x768xf32, #tpu.memory_space<vmem>>[vector<16xi32>, vector<16xi32>], vector<16xf32>,
          %add3A_119 = arith.addf %scan3A_109, %add3A_118 : vector<16xf32>
          %mul3A_120 = arith.mulf %add3A_118, %add3A_118 : vector<16xf32>
          %add3A_121 = arith.addf %scan3A_110, %mul3A_120 : vector<16xf32>
          %add3A_122 = arith.constant 1 : i32
          %add3A_123 = arith.addi %mul3A_112, %add3A_122 : i32
          %add3A_124 = vector.broadcast %add3A_123 : i32 to vector<16xi32>
          %add3A_125 = arith.addi %broadcast_in_dim3A_1, %add3A_124 : vector<16xi32>
          %gather3A_126 = tpu.vector_load_idx %arg10[%iota3A, %add3A_125] : memref<16x768xf32, #tpu.memory_space<vmem>>[vector<16xi32>, vector<16xi32>], vector<16xf32>,
          %gather3A_127 = tpu.vector_load_idx %arg9[%iota3A, %add3A_125] : memref<16x768xf32, #tpu.memory_space<vmem>>[vector<16xi32>, vector<16xi32>], vector<16xf32>,
          %add3A_128 = arith.addf %gather3A_126, %gather3A_127 : vector<16xf32>
          tpu.vector_store_idx %arg10[%iota3A, %add3A_125], %add3A_128 : memref<16x768xf32, #tpu.memory_space<vmem>>[vector<16xi32>, vector<16xi32>], vector<16xf32>,
          %add3A_129 = arith.addf %add3A_119, %add3A_128 : vector<16xf32>
          %mul3A_130 = arith.mulf %add3A_128, %add3A_128 : vector<16xf32>
          %add3A_131 = arith.addf %add3A_121, %mul3A_130 : vector<16xf32>
          %add3A_132 = arith.constant 2 : i32
          %add3A_133 = arith.addi %mul3A_112, %add3A_132 : i32
          %add3A_134 = vector.broadcast %add3A_133 : i32 to vector<16xi32>
          %add3A_135 = arith.addi %broadcast_in_dim3A_1, %add3A_134 : vector<16xi32>
          %gather3A_136 = tpu.vector_load_idx %arg10[%iota3A, %add3A_135] : memref<16x768xf32, #tpu.memory_space<vmem>>[vector<16xi32>, vector<16xi32>], vector<16xf32>,
          %gather3A_137 = tpu.vector_load_idx %arg9[%iota3A, %add3A_135] : memref<16x768xf32, #tpu.memory_space<vmem>>[vector<16xi32>, vector<16xi32>], vector<16xf32>,
          %add3A_138 = arith.addf %gather3A_136, %gather3A_137 : vector<16xf32>
          tpu.vector_store_idx %arg10[%iota3A, %add3A_135], %add3A_138 : memref<16x768xf32, #tpu.memory_space<vmem>>[vector<16xi32>, vector<16xi32>], vector<16xf32>,
          %add3A_139 = arith.addf %add3A_129, %add3A_138 : vector<16xf32>
          %mul3A_140 = arith.mulf %add3A_138, %add3A_138 : vector<16xf32>
          %add3A_141 = arith.addf %add3A_131, %mul3A_140 : vector<16xf32>
          %add3A_142 = arith.constant 3 : i32
          %add3A_143 = arith.addi %mul3A_112, %add3A_142 : i32
          %add3A_144 = vector.broadcast %add3A_143 : i32 to vector<16xi32>
          %add3A_145 = arith.addi %broadcast_in_dim3A_1, %add3A_144 : vector<16xi32>
          %gather3A_146 = tpu.vector_load_idx %arg10[%iota3A, %add3A_145] : memref<16x768xf32, #tpu.memory_space<vmem>>[vector<16xi32>, vector<16xi32>], vector<16xf32>,
          %gather3A_147 = tpu.vector_load_idx %arg9[%iota3A, %add3A_145] : memref<16x768xf32, #tpu.memory_space<vmem>>[vector<16xi32>, vector<16xi32>], vector<16xf32>,
          %add3A_148 = arith.addf %gather3A_146, %gather3A_147 : vector<16xf32>
          tpu.vector_store_idx %arg10[%iota3A, %add3A_145], %add3A_148 : memref<16x768xf32, #tpu.memory_space<vmem>>[vector<16xi32>, vector<16xi32>], vector<16xf32>,
          %add3A_149 = arith.addf %add3A_139, %add3A_148 : vector<16xf32>
          %mul3A_150 = arith.mulf %add3A_148, %add3A_148 : vector<16xf32>
          %add3A_151 = arith.addf %add3A_141, %mul3A_150 : vector<16xf32>
          %add3A_152 = arith.constant 4 : i32
          %add3A_153 = arith.addi %mul3A_112, %add3A_152 : i32
          %add3A_154 = vector.broadcast %add3A_153 : i32 to vector<16xi32>
          %add3A_155 = arith.addi %broadcast_in_dim3A_1, %add3A_154 : vector<16xi32>
          %gather3A_156 = tpu.vector_load_idx %arg10[%iota3A, %add3A_155] : memref<16x768xf32, #tpu.memory_space<vmem>>[vector<16xi32>, vector<16xi32>], vector<16xf32>,
          %gather3A_157 = tpu.vector_load_idx %arg9[%iota3A, %add3A_155] : memref<16x768xf32, #tpu.memory_space<vmem>>[vector<16xi32>, vector<16xi32>], vector<16xf32>,
          %add3A_158 = arith.addf %gather3A_156, %gather3A_157 : vector<16xf32>
          tpu.vector_store_idx %arg10[%iota3A, %add3A_155], %add3A_158 : memref<16x768xf32, #tpu.memory_space<vmem>>[vector<16xi32>, vector<16xi32>], vector<16xf32>,
          %add3A_159 = arith.addf %add3A_149, %add3A_158 : vector<16xf32>
          %mul3A_160 = arith.mulf %add3A_158, %add3A_158 : vector<16xf32>
          %add3A_161 = arith.addf %add3A_151, %mul3A_160 : vector<16xf32>
          %add3A_162 = arith.constant 5 : i32
          %add3A_163 = arith.addi %mul3A_112, %add3A_162 : i32
          %add3A_164 = vector.broadcast %add3A_163 : i32 to vector<16xi32>
          %add3A_165 = arith.addi %broadcast_in_dim3A_1, %add3A_164 : vector<16xi32>
          %gather3A_166 = tpu.vector_load_idx %arg10[%iota3A, %add3A_165] : memref<16x768xf32, #tpu.memory_space<vmem>>[vector<16xi32>, vector<16xi32>], vector<16xf32>,
          %gather3A_167 = tpu.vector_load_idx %arg9[%iota3A, %add3A_165] : memref<16x768xf32, #tpu.memory_space<vmem>>[vector<16xi32>, vector<16xi32>], vector<16xf32>,
          %add3A_168 = arith.addf %gather3A_166, %gather3A_167 : vector<16xf32>
          tpu.vector_store_idx %arg10[%iota3A, %add3A_165], %add3A_168 : memref<16x768xf32, #tpu.memory_space<vmem>>[vector<16xi32>, vector<16xi32>], vector<16xf32>,
          %add3A_169 = arith.addf %add3A_159, %add3A_168 : vector<16xf32>
          %mul3A_170 = arith.mulf %add3A_168, %add3A_168 : vector<16xf32>
          %add3A_171 = arith.addf %add3A_161, %mul3A_170 : vector<16xf32>
          %add3A_172 = arith.constant 6 : i32
          %add3A_173 = arith.addi %mul3A_112, %add3A_172 : i32
          %add3A_174 = vector.broadcast %add3A_173 : i32 to vector<16xi32>
          %add3A_175 = arith.addi %broadcast_in_dim3A_1, %add3A_174 : vector<16xi32>
          %gather3A_176 = tpu.vector_load_idx %arg10[%iota3A, %add3A_175] : memref<16x768xf32, #tpu.memory_space<vmem>>[vector<16xi32>, vector<16xi32>], vector<16xf32>,
          %gather3A_177 = tpu.vector_load_idx %arg9[%iota3A, %add3A_175] : memref<16x768xf32, #tpu.memory_space<vmem>>[vector<16xi32>, vector<16xi32>], vector<16xf32>,
          %add3A_178 = arith.addf %gather3A_176, %gather3A_177 : vector<16xf32>
          tpu.vector_store_idx %arg10[%iota3A, %add3A_175], %add3A_178 : memref<16x768xf32, #tpu.memory_space<vmem>>[vector<16xi32>, vector<16xi32>], vector<16xf32>,
          %add3A_179 = arith.addf %add3A_169, %add3A_178 : vector<16xf32>
          %mul3A_180 = arith.mulf %add3A_178, %add3A_178 : vector<16xf32>
          %add3A_181 = arith.addf %add3A_171, %mul3A_180 : vector<16xf32>
          %add3A_182 = arith.constant 7 : i32
          %add3A_183 = arith.addi %mul3A_112, %add3A_182 : i32
          %add3A_184 = vector.broadcast %add3A_183 : i32 to vector<16xi32>
          %add3A_185 = arith.addi %broadcast_in_dim3A_1, %add3A_184 : vector<16xi32>
          %gather3A_186 = tpu.vector_load_idx %arg10[%iota3A, %add3A_185] : memref<16x768xf32, #tpu.memory_space<vmem>>[vector<16xi32>, vector<16xi32>], vector<16xf32>,
          %gather3A_187 = tpu.vector_load_idx %arg9[%iota3A, %add3A_185] : memref<16x768xf32, #tpu.memory_space<vmem>>[vector<16xi32>, vector<16xi32>], vector<16xf32>,
          %add3A_188 = arith.addf %gather3A_186, %gather3A_187 : vector<16xf32>
          tpu.vector_store_idx %arg10[%iota3A, %add3A_185], %add3A_188 : memref<16x768xf32, #tpu.memory_space<vmem>>[vector<16xi32>, vector<16xi32>], vector<16xf32>,
          %add3A_189 = arith.addf %add3A_179, %add3A_188 : vector<16xf32>
          %mul3A_190 = arith.mulf %add3A_188, %add3A_188 : vector<16xf32>
          %add3A_191 = arith.addf %add3A_181, %mul3A_190 : vector<16xf32>
          scf.yield %add3A_189, %add3A_191 : vector<16xf32>, vector<16xf32>
        }
        %scan3A_49 = arith.constant 96 : i32
        %mul3A_50 = vector.broadcast %scan3A : f32 to vector<16xf32>
        %mul3A_51 = arith.mulf %scan3A_48#0, %mul3A_50 : vector<16xf32>
        %mul3A_52 = vector.broadcast %scan3A : f32 to vector<16xf32>
        %mul3A_53 = arith.mulf %scan3A_48#1, %mul3A_52 : vector<16xf32>
        %mul3A_54 = arith.mulf %mul3A_51, %mul3A_51 : vector<16xf32>
        %sub3A = arith.subf %mul3A_53, %mul3A_54 : vector<16xf32>
        %add3A_55 = arith.constant 9.99999996E-13 : f32
        %add3A_56 = vector.broadcast %add3A_55 : f32 to vector<16xf32>
        %add3A_57 = arith.addf %sub3A, %add3A_56 : vector<16xf32>
        %bitcast3A = vector.bitcast %add3A_57 : vector<16xf32> to vector<16xi32>
        %shift_right_logical3A = arith.constant 1 : i32
        %shift_right_logical3A_58 = vector.broadcast %shift_right_logical3A : i32 to vector<16xi32>
        %shift_right_logical3A_59 = arith.shrui %bitcast3A, %shift_right_logical3A_58 : vector<16xi32>
        %sub3A_60 = arith.constant 1597463007 : i32
        %sub3A_61 = vector.broadcast %sub3A_60 : i32 to vector<16xi32>
        %sub3A_62 = arith.subi %sub3A_61, %shift_right_logical3A_59 : vector<16xi32>
        %bitcast3A_63 = vector.bitcast %sub3A_62 : vector<16xi32> to vector<16xf32>
        %mul3A_64 = arith.constant 5.000000e-01 : f32
        %mul3A_65 = vector.broadcast %mul3A_64 : f32 to vector<16xf32>
        %mul3A_66 = arith.mulf %mul3A_65, %add3A_57 : vector<16xf32>
        %mul3A_67 = arith.mulf %mul3A_66, %bitcast3A_63 : vector<16xf32>
        %mul3A_68 = arith.mulf %mul3A_67, %bitcast3A_63 : vector<16xf32>
        %sub3A_69 = arith.constant 1.500000e+00 : f32
        %sub3A_70 = vector.broadcast %sub3A_69 : f32 to vector<16xf32>
        %sub3A_71 = arith.subf %sub3A_70, %mul3A_68 : vector<16xf32>
        %mul3A_72 = arith.mulf %bitcast3A_63, %sub3A_71 : vector<16xf32>
        %mul3A_73 = arith.constant 5.000000e-01 : f32
        %mul3A_74 = vector.broadcast %mul3A_73 : f32 to vector<16xf32>
        %mul3A_75 = arith.mulf %mul3A_74, %add3A_57 : vector<16xf32>
        %mul3A_76 = arith.mulf %mul3A_75, %mul3A_72 : vector<16xf32>
        %mul3A_77 = arith.mulf %mul3A_76, %mul3A_72 : vector<16xf32>
        %sub3A_78 = arith.constant 1.500000e+00 : f32
        %sub3A_79 = vector.broadcast %sub3A_78 : f32 to vector<16xf32>
        %sub3A_80 = arith.subf %sub3A_79, %mul3A_77 : vector<16xf32>
        %mul3A_81 = arith.mulf %mul3A_72, %sub3A_80 : vector<16xf32>
        %mul3A_82 = arith.constant 5.000000e-01 : f32
        %mul3A_83 = vector.broadcast %mul3A_82 : f32 to vector<16xf32>
        %mul3A_84 = arith.mulf %mul3A_83, %add3A_57 : vector<16xf32>
        %mul3A_85 = arith.mulf %mul3A_84, %mul3A_81 : vector<16xf32>
        %mul3A_86 = arith.mulf %mul3A_85, %mul3A_81 : vector<16xf32>
        %sub3A_87 = arith.constant 1.500000e+00 : f32
        %sub3A_88 = vector.broadcast %sub3A_87 : f32 to vector<16xf32>
        %sub3A_89 = arith.subf %sub3A_88, %mul3A_86 : vector<16xf32>
        %mul3A_90 = arith.mulf %mul3A_81, %sub3A_89 : vector<16xf32>
        %mul3A_91 = arith.constant 5.000000e-01 : f32
        %mul3A_92 = vector.broadcast %mul3A_91 : f32 to vector<16xf32>
        %mul3A_93 = arith.mulf %mul3A_92, %add3A_57 : vector<16xf32>
        %mul3A_94 = arith.mulf %mul3A_93, %mul3A_90 : vector<16xf32>
        %mul3A_95 = arith.mulf %mul3A_94, %mul3A_90 : vector<16xf32>
        %sub3A_96 = arith.constant 1.500000e+00 : f32
        %sub3A_97 = vector.broadcast %sub3A_96 : f32 to vector<16xf32>
        %sub3A_98 = arith.subf %sub3A_97, %mul3A_95 : vector<16xf32>
        %mul3A_99 = arith.mulf %mul3A_90, %sub3A_98 : vector<16xf32>
        %scan3A_100 = arith.constant 0 : i32
        %scan3A_101 = arith.constant 0 : i32
        %scan3A_102 = arith.constant 48 : i32
        %scan3A_103 = arith.addi %scan3A_101, %scan3A_102 : i32
        %scan3A_104 = arith.constant 1 : i32
        %scan3A_105 = scf.for %scan3A_108 = %scan3A_101 to %scan3A_103 step %scan3A_104 iter_args(%scan3A_109 = %scan3A_100) -> (i32)  : i32 {
          %mul3A_110 = arith.constant 16 : i32
          %mul3A_111 = arith.muli %scan3A_108, %mul3A_110 : i32
          %get3A = arith.index_cast %mul3A_111 : i32 to index
          %get3A_112 = tpu.vector_load %arg13[%get3A] {strides = array<i32>} : memref<768xf32, #tpu.memory_space<vmem>>, vector<16xf32>,
          %get3A_113 = arith.index_cast %mul3A_111 : i32 to index
          %get3A_114 = tpu.vector_load %arg14[%get3A_113] {strides = array<i32>} : memref<768xf32, #tpu.memory_space<vmem>>, vector<16xf32>,
          %add3A_115 = arith.constant 0 : i32
          %add3A_116 = arith.addi %mul3A_111, %add3A_115 : i32
          %add3A_117 = vector.broadcast %add3A_116 : i32 to vector<16xi32>
          %add3A_118 = arith.addi %broadcast_in_dim3A_1, %add3A_117 : vector<16xi32>
          %gather3A = tpu.vector_load_idx %arg10[%iota3A, %add3A_118] : memref<16x768xf32, #tpu.memory_space<vmem>>[vector<16xi32>, vector<16xi32>], vector<16xf32>,
          %sub3A_119 = arith.subf %gather3A, %mul3A_51 : vector<16xf32>
          %slice3A = vector.extract_strided_slice %get3A_112 {offsets = [0], sizes = [1], strides = [1]} : vector<16xf32> to vector<1xf32>
          %squeeze3A = vector.extract %slice3A[0] : f32 from vector<1xf32>
          %mul3A_120 = vector.broadcast %squeeze3A : f32 to vector<16xf32>
          %mul3A_121 = arith.mulf %mul3A_99, %mul3A_120 : vector<16xf32>
          %mul3A_122 = arith.mulf %sub3A_119, %mul3A_121 : vector<16xf32>
          %slice3A_123 = vector.extract_strided_slice %get3A_114 {offsets = [0], sizes = [1], strides = [1]} : vector<16xf32> to vector<1xf32>
          %squeeze3A_124 = vector.extract %slice3A_123[0] : f32 from vector<1xf32>
          %add3A_125 = vector.broadcast %squeeze3A_124 : f32 to vector<16xf32>
          %add3A_126 = arith.addf %mul3A_122, %add3A_125 : vector<16xf32>
          tpu.vector_store_idx %arg10[%iota3A, %add3A_118], %add3A_126 : memref<16x768xf32, #tpu.memory_space<vmem>>[vector<16xi32>, vector<16xi32>], vector<16xf32>,
          %add3A_127 = arith.constant 1 : i32
          %add3A_128 = arith.addi %mul3A_111, %add3A_127 : i32
          %add3A_129 = vector.broadcast %add3A_128 : i32 to vector<16xi32>
          %add3A_130 = arith.addi %broadcast_in_dim3A_1, %add3A_129 : vector<16xi32>
          %gather3A_131 = tpu.vector_load_idx %arg10[%iota3A, %add3A_130] : memref<16x768xf32, #tpu.memory_space<vmem>>[vector<16xi32>, vector<16xi32>], vector<16xf32>,
          %sub3A_132 = arith.subf %gather3A_131, %mul3A_51 : vector<16xf32>
          %slice3A_133 = vector.extract_strided_slice %get3A_112 {offsets = [1], sizes = [1], strides = [1]} : vector<16xf32> to vector<1xf32>
          %squeeze3A_134 = vector.extract %slice3A_133[0] : f32 from vector<1xf32>
          %mul3A_135 = vector.broadcast %squeeze3A_134 : f32 to vector<16xf32>
          %mul3A_136 = arith.mulf %mul3A_99, %mul3A_135 : vector<16xf32>
          %mul3A_137 = arith.mulf %sub3A_132, %mul3A_136 : vector<16xf32>
          %slice3A_138 = vector.extract_strided_slice %get3A_114 {offsets = [1], sizes = [1], strides = [1]} : vector<16xf32> to vector<1xf32>
          %squeeze3A_139 = vector.extract %slice3A_138[0] : f32 from vector<1xf32>
          %add3A_140 = vector.broadcast %squeeze3A_139 : f32 to vector<16xf32>
          %add3A_141 = arith.addf %mul3A_137, %add3A_140 : vector<16xf32>
          tpu.vector_store_idx %arg10[%iota3A, %add3A_130], %add3A_141 : memref<16x768xf32, #tpu.memory_space<vmem>>[vector<16xi32>, vector<16xi32>], vector<16xf32>,
          %add3A_142 = arith.constant 2 : i32
          %add3A_143 = arith.addi %mul3A_111, %add3A_142 : i32
          %add3A_144 = vector.broadcast %add3A_143 : i32 to vector<16xi32>
          %add3A_145 = arith.addi %broadcast_in_dim3A_1, %add3A_144 : vector<16xi32>
          %gather3A_146 = tpu.vector_load_idx %arg10[%iota3A, %add3A_145] : memref<16x768xf32, #tpu.memory_space<vmem>>[vector<16xi32>, vector<16xi32>], vector<16xf32>,
          %sub3A_147 = arith.subf %gather3A_146, %mul3A_51 : vector<16xf32>
          %slice3A_148 = vector.extract_strided_slice %get3A_112 {offsets = [2], sizes = [1], strides = [1]} : vector<16xf32> to vector<1xf32>
          %squeeze3A_149 = vector.extract %slice3A_148[0] : f32 from vector<1xf32>
          %mul3A_150 = vector.broadcast %squeeze3A_149 : f32 to vector<16xf32>
          %mul3A_151 = arith.mulf %mul3A_99, %mul3A_150 : vector<16xf32>
          %mul3A_152 = arith.mulf %sub3A_147, %mul3A_151 : vector<16xf32>
          %slice3A_153 = vector.extract_strided_slice %get3A_114 {offsets = [2], sizes = [1], strides = [1]} : vector<16xf32> to vector<1xf32>
          %squeeze3A_154 = vector.extract %slice3A_153[0] : f32 from vector<1xf32>
          %add3A_155 = vector.broadcast %squeeze3A_154 : f32 to vector<16xf32>
          %add3A_156 = arith.addf %mul3A_152, %add3A_155 : vector<16xf32>
          tpu.vector_store_idx %arg10[%iota3A, %add3A_145], %add3A_156 : memref<16x768xf32, #tpu.memory_space<vmem>>[vector<16xi32>, vector<16xi32>], vector<16xf32>,
          %add3A_157 = arith.constant 3 : i32
          %add3A_158 = arith.addi %mul3A_111, %add3A_157 : i32
          %add3A_159 = vector.broadcast %add3A_158 : i32 to vector<16xi32>
          %add3A_160 = arith.addi %broadcast_in_dim3A_1, %add3A_159 : vector<16xi32>
          %gather3A_161 = tpu.vector_load_idx %arg10[%iota3A, %add3A_160] : memref<16x768xf32, #tpu.memory_space<vmem>>[vector<16xi32>, vector<16xi32>], vector<16xf32>,
          %sub3A_162 = arith.subf %gather3A_161, %mul3A_51 : vector<16xf32>
          %slice3A_163 = vector.extract_strided_slice %get3A_112 {offsets = [3], sizes = [1], strides = [1]} : vector<16xf32> to vector<1xf32>
          %squeeze3A_164 = vector.extract %slice3A_163[0] : f32 from vector<1xf32>
          %mul3A_165 = vector.broadcast %squeeze3A_164 : f32 to vector<16xf32>
          %mul3A_166 = arith.mulf %mul3A_99, %mul3A_165 : vector<16xf32>
          %mul3A_167 = arith.mulf %sub3A_162, %mul3A_166 : vector<16xf32>
          %slice3A_168 = vector.extract_strided_slice %get3A_114 {offsets = [3], sizes = [1], strides = [1]} : vector<16xf32> to vector<1xf32>
          %squeeze3A_169 = vector.extract %slice3A_168[0] : f32 from vector<1xf32>
          %add3A_170 = vector.broadcast %squeeze3A_169 : f32 to vector<16xf32>
          %add3A_171 = arith.addf %mul3A_167, %add3A_170 : vector<16xf32>
          tpu.vector_store_idx %arg10[%iota3A, %add3A_160], %add3A_171 : memref<16x768xf32, #tpu.memory_space<vmem>>[vector<16xi32>, vector<16xi32>], vector<16xf32>,
          %add3A_172 = arith.constant 4 : i32
          %add3A_173 = arith.addi %mul3A_111, %add3A_172 : i32
          %add3A_174 = vector.broadcast %add3A_173 : i32 to vector<16xi32>
          %add3A_175 = arith.addi %broadcast_in_dim3A_1, %add3A_174 : vector<16xi32>
          %gather3A_176 = tpu.vector_load_idx %arg10[%iota3A, %add3A_175] : memref<16x768xf32, #tpu.memory_space<vmem>>[vector<16xi32>, vector<16xi32>], vector<16xf32>,
          %sub3A_177 = arith.subf %gather3A_176, %mul3A_51 : vector<16xf32>
          %slice3A_178 = vector.extract_strided_slice %get3A_112 {offsets = [4], sizes = [1], strides = [1]} : vector<16xf32> to vector<1xf32>
          %squeeze3A_179 = vector.extract %slice3A_178[0] : f32 from vector<1xf32>
          %mul3A_180 = vector.broadcast %squeeze3A_179 : f32 to vector<16xf32>
          %mul3A_181 = arith.mulf %mul3A_99, %mul3A_180 : vector<16xf32>
          %mul3A_182 = arith.mulf %sub3A_177, %mul3A_181 : vector<16xf32>
          %slice3A_183 = vector.extract_strided_slice %get3A_114 {offsets = [4], sizes = [1], strides = [1]} : vector<16xf32> to vector<1xf32>
          %squeeze3A_184 = vector.extract %slice3A_183[0] : f32 from vector<1xf32>
          %add3A_185 = vector.broadcast %squeeze3A_184 : f32 to vector<16xf32>
          %add3A_186 = arith.addf %mul3A_182, %add3A_185 : vector<16xf32>
          tpu.vector_store_idx %arg10[%iota3A, %add3A_175], %add3A_186 : memref<16x768xf32, #tpu.memory_space<vmem>>[vector<16xi32>, vector<16xi32>], vector<16xf32>,
          %add3A_187 = arith.constant 5 : i32
          %add3A_188 = arith.addi %mul3A_111, %add3A_187 : i32
          %add3A_189 = vector.broadcast %add3A_188 : i32 to vector<16xi32>
          %add3A_190 = arith.addi %broadcast_in_dim3A_1, %add3A_189 : vector<16xi32>
          %gather3A_191 = tpu.vector_load_idx %arg10[%iota3A, %add3A_190] : memref<16x768xf32, #tpu.memory_space<vmem>>[vector<16xi32>, vector<16xi32>], vector<16xf32>,
          %sub3A_192 = arith.subf %gather3A_191, %mul3A_51 : vector<16xf32>
          %slice3A_193 = vector.extract_strided_slice %get3A_112 {offsets = [5], sizes = [1], strides = [1]} : vector<16xf32> to vector<1xf32>
          %squeeze3A_194 = vector.extract %slice3A_193[0] : f32 from vector<1xf32>
          %mul3A_195 = vector.broadcast %squeeze3A_194 : f32 to vector<16xf32>
          %mul3A_196 = arith.mulf %mul3A_99, %mul3A_195 : vector<16xf32>
          %mul3A_197 = arith.mulf %sub3A_192, %mul3A_196 : vector<16xf32>
          %slice3A_198 = vector.extract_strided_slice %get3A_114 {offsets = [5], sizes = [1], strides = [1]} : vector<16xf32> to vector<1xf32>
          %squeeze3A_199 = vector.extract %slice3A_198[0] : f32 from vector<1xf32>
          %add3A_200 = vector.broadcast %squeeze3A_199 : f32 to vector<16xf32>
          %add3A_201 = arith.addf %mul3A_197, %add3A_200 : vector<16xf32>
          tpu.vector_store_idx %arg10[%iota3A, %add3A_190], %add3A_201 : memref<16x768xf32, #tpu.memory_space<vmem>>[vector<16xi32>, vector<16xi32>], vector<16xf32>,
          %add3A_202 = arith.constant 6 : i32
          %add3A_203 = arith.addi %mul3A_111, %add3A_202 : i32
          %add3A_204 = vector.broadcast %add3A_203 : i32 to vector<16xi32>
          %add3A_205 = arith.addi %broadcast_in_dim3A_1, %add3A_204 : vector<16xi32>
          %gather3A_206 = tpu.vector_load_idx %arg10[%iota3A, %add3A_205] : memref<16x768xf32, #tpu.memory_space<vmem>>[vector<16xi32>, vector<16xi32>], vector<16xf32>,
          %sub3A_207 = arith.subf %gather3A_206, %mul3A_51 : vector<16xf32>
          %slice3A_208 = vector.extract_strided_slice %get3A_112 {offsets = [6], sizes = [1], strides = [1]} : vector<16xf32> to vector<1xf32>
          %squeeze3A_209 = vector.extract %slice3A_208[0] : f32 from vector<1xf32>
          %mul3A_210 = vector.broadcast %squeeze3A_209 : f32 to vector<16xf32>
          %mul3A_211 = arith.mulf %mul3A_99, %mul3A_210 : vector<16xf32>
          %mul3A_212 = arith.mulf %sub3A_207, %mul3A_211 : vector<16xf32>
          %slice3A_213 = vector.extract_strided_slice %get3A_114 {offsets = [6], sizes = [1], strides = [1]} : vector<16xf32> to vector<1xf32>
          %squeeze3A_214 = vector.extract %slice3A_213[0] : f32 from vector<1xf32>
          %add3A_215 = vector.broadcast %squeeze3A_214 : f32 to vector<16xf32>
          %add3A_216 = arith.addf %mul3A_212, %add3A_215 : vector<16xf32>
          tpu.vector_store_idx %arg10[%iota3A, %add3A_205], %add3A_216 : memref<16x768xf32, #tpu.memory_space<vmem>>[vector<16xi32>, vector<16xi32>], vector<16xf32>,
          %add3A_217 = arith.constant 7 : i32
          %add3A_218 = arith.addi %mul3A_111, %add3A_217 : i32
          %add3A_219 = vector.broadcast %add3A_218 : i32 to vector<16xi32>
          %add3A_220 = arith.addi %broadcast_in_dim3A_1, %add3A_219 : vector<16xi32>
          %gather3A_221 = tpu.vector_load_idx %arg10[%iota3A, %add3A_220] : memref<16x768xf32, #tpu.memory_space<vmem>>[vector<16xi32>, vector<16xi32>], vector<16xf32>,
          %sub3A_222 = arith.subf %gather3A_221, %mul3A_51 : vector<16xf32>
          %slice3A_223 = vector.extract_strided_slice %get3A_112 {offsets = [7], sizes = [1], strides = [1]} : vector<16xf32> to vector<1xf32>
          %squeeze3A_224 = vector.extract %slice3A_223[0] : f32 from vector<1xf32>
          %mul3A_225 = vector.broadcast %squeeze3A_224 : f32 to vector<16xf32>
          %mul3A_226 = arith.mulf %mul3A_99, %mul3A_225 : vector<16xf32>
          %mul3A_227 = arith.mulf %sub3A_222, %mul3A_226 : vector<16xf32>
          %slice3A_228 = vector.extract_strided_slice %get3A_114 {offsets = [7], sizes = [1], strides = [1]} : vector<16xf32> to vector<1xf32>
          %squeeze3A_229 = vector.extract %slice3A_228[0] : f32 from vector<1xf32>
          %add3A_230 = vector.broadcast %squeeze3A_229 : f32 to vector<16xf32>
          %add3A_231 = arith.addf %mul3A_227, %add3A_230 : vector<16xf32>
          tpu.vector_store_idx %arg10[%iota3A, %add3A_220], %add3A_231 : memref<16x768xf32, #tpu.memory_space<vmem>>[vector<16xi32>, vector<16xi32>], vector<16xf32>,
          %add3A_232 = arith.constant 8 : i32
          %add3A_233 = arith.addi %mul3A_111, %add3A_232 : i32
          %add3A_234 = vector.broadcast %add3A_233 : i32 to vector<16xi32>
          %add3A_235 = arith.addi %broadcast_in_dim3A_1, %add3A_234 : vector<16xi32>
          %gather3A_236 = tpu.vector_load_idx %arg10[%iota3A, %add3A_235] : memref<16x768xf32, #tpu.memory_space<vmem>>[vector<16xi32>, vector<16xi32>], vector<16xf32>,
          %sub3A_237 = arith.subf %gather3A_236, %mul3A_51 : vector<16xf32>
          %slice3A_238 = vector.extract_strided_slice %get3A_112 {offsets = [8], sizes = [1], strides = [1]} : vector<16xf32> to vector<1xf32>
          %squeeze3A_239 = vector.extract %slice3A_238[0] : f32 from vector<1xf32>
          %mul3A_240 = vector.broadcast %squeeze3A_239 : f32 to vector<16xf32>
          %mul3A_241 = arith.mulf %mul3A_99, %mul3A_240 : vector<16xf32>
          %mul3A_242 = arith.mulf %sub3A_237, %mul3A_241 : vector<16xf32>
          %slice3A_243 = vector.extract_strided_slice %get3A_114 {offsets = [8], sizes = [1], strides = [1]} : vector<16xf32> to vector<1xf32>
          %squeeze3A_244 = vector.extract %slice3A_243[0] : f32 from vector<1xf32>
          %add3A_245 = vector.broadcast %squeeze3A_244 : f32 to vector<16xf32>
          %add3A_246 = arith.addf %mul3A_242, %add3A_245 : vector<16xf32>
          tpu.vector_store_idx %arg10[%iota3A, %add3A_235], %add3A_246 : memref<16x768xf32, #tpu.memory_space<vmem>>[vector<16xi32>, vector<16xi32>], vector<16xf32>,
          %add3A_247 = arith.constant 9 : i32
          %add3A_248 = arith.addi %mul3A_111, %add3A_247 : i32
          %add3A_249 = vector.broadcast %add3A_248 : i32 to vector<16xi32>
          %add3A_250 = arith.addi %broadcast_in_dim3A_1, %add3A_249 : vector<16xi32>
          %gather3A_251 = tpu.vector_load_idx %arg10[%iota3A, %add3A_250] : memref<16x768xf32, #tpu.memory_space<vmem>>[vector<16xi32>, vector<16xi32>], vector<16xf32>,
          %sub3A_252 = arith.subf %gather3A_251, %mul3A_51 : vector<16xf32>
          %slice3A_253 = vector.extract_strided_slice %get3A_112 {offsets = [9], sizes = [1], strides = [1]} : vector<16xf32> to vector<1xf32>
          %squeeze3A_254 = vector.extract %slice3A_253[0] : f32 from vector<1xf32>
          %mul3A_255 = vector.broadcast %squeeze3A_254 : f32 to vector<16xf32>
          %mul3A_256 = arith.mulf %mul3A_99, %mul3A_255 : vector<16xf32>
          %mul3A_257 = arith.mulf %sub3A_252, %mul3A_256 : vector<16xf32>
          %slice3A_258 = vector.extract_strided_slice %get3A_114 {offsets = [9], sizes = [1], strides = [1]} : vector<16xf32> to vector<1xf32>
          %squeeze3A_259 = vector.extract %slice3A_258[0] : f32 from vector<1xf32>
          %add3A_260 = vector.broadcast %squeeze3A_259 : f32 to vector<16xf32>
          %add3A_261 = arith.addf %mul3A_257, %add3A_260 : vector<16xf32>
          tpu.vector_store_idx %arg10[%iota3A, %add3A_250], %add3A_261 : memref<16x768xf32, #tpu.memory_space<vmem>>[vector<16xi32>, vector<16xi32>], vector<16xf32>,
          %add3A_262 = arith.constant 10 : i32
          %add3A_263 = arith.addi %mul3A_111, %add3A_262 : i32
          %add3A_264 = vector.broadcast %add3A_263 : i32 to vector<16xi32>
          %add3A_265 = arith.addi %broadcast_in_dim3A_1, %add3A_264 : vector<16xi32>
          %gather3A_266 = tpu.vector_load_idx %arg10[%iota3A, %add3A_265] : memref<16x768xf32, #tpu.memory_space<vmem>>[vector<16xi32>, vector<16xi32>], vector<16xf32>,
          %sub3A_267 = arith.subf %gather3A_266, %mul3A_51 : vector<16xf32>
          %slice3A_268 = vector.extract_strided_slice %get3A_112 {offsets = [10], sizes = [1], strides = [1]} : vector<16xf32> to vector<1xf32>
          %squeeze3A_269 = vector.extract %slice3A_268[0] : f32 from vector<1xf32>
          %mul3A_270 = vector.broadcast %squeeze3A_269 : f32 to vector<16xf32>
          %mul3A_271 = arith.mulf %mul3A_99, %mul3A_270 : vector<16xf32>
          %mul3A_272 = arith.mulf %sub3A_267, %mul3A_271 : vector<16xf32>
          %slice3A_273 = vector.extract_strided_slice %get3A_114 {offsets = [10], sizes = [1], strides = [1]} : vector<16xf32> to vector<1xf32>
          %squeeze3A_274 = vector.extract %slice3A_273[0] : f32 from vector<1xf32>
          %add3A_275 = vector.broadcast %squeeze3A_274 : f32 to vector<16xf32>
          %add3A_276 = arith.addf %mul3A_272, %add3A_275 : vector<16xf32>
          tpu.vector_store_idx %arg10[%iota3A, %add3A_265], %add3A_276 : memref<16x768xf32, #tpu.memory_space<vmem>>[vector<16xi32>, vector<16xi32>], vector<16xf32>,
          %add3A_277 = arith.constant 11 : i32
          %add3A_278 = arith.addi %mul3A_111, %add3A_277 : i32
          %add3A_279 = vector.broadcast %add3A_278 : i32 to vector<16xi32>
          %add3A_280 = arith.addi %broadcast_in_dim3A_1, %add3A_279 : vector<16xi32>
          %gather3A_281 = tpu.vector_load_idx %arg10[%iota3A, %add3A_280] : memref<16x768xf32, #tpu.memory_space<vmem>>[vector<16xi32>, vector<16xi32>], vector<16xf32>,
          %sub3A_282 = arith.subf %gather3A_281, %mul3A_51 : vector<16xf32>
          %slice3A_283 = vector.extract_strided_slice %get3A_112 {offsets = [11], sizes = [1], strides = [1]} : vector<16xf32> to vector<1xf32>
          %squeeze3A_284 = vector.extract %slice3A_283[0] : f32 from vector<1xf32>
          %mul3A_285 = vector.broadcast %squeeze3A_284 : f32 to vector<16xf32>
          %mul3A_286 = arith.mulf %mul3A_99, %mul3A_285 : vector<16xf32>
          %mul3A_287 = arith.mulf %sub3A_282, %mul3A_286 : vector<16xf32>
          %slice3A_288 = vector.extract_strided_slice %get3A_114 {offsets = [11], sizes = [1], strides = [1]} : vector<16xf32> to vector<1xf32>
          %squeeze3A_289 = vector.extract %slice3A_288[0] : f32 from vector<1xf32>
          %add3A_290 = vector.broadcast %squeeze3A_289 : f32 to vector<16xf32>
          %add3A_291 = arith.addf %mul3A_287, %add3A_290 : vector<16xf32>
          tpu.vector_store_idx %arg10[%iota3A, %add3A_280], %add3A_291 : memref<16x768xf32, #tpu.memory_space<vmem>>[vector<16xi32>, vector<16xi32>], vector<16xf32>,
          %add3A_292 = arith.constant 12 : i32
          %add3A_293 = arith.addi %mul3A_111, %add3A_292 : i32
          %add3A_294 = vector.broadcast %add3A_293 : i32 to vector<16xi32>
          %add3A_295 = arith.addi %broadcast_in_dim3A_1, %add3A_294 : vector<16xi32>
          %gather3A_296 = tpu.vector_load_idx %arg10[%iota3A, %add3A_295] : memref<16x768xf32, #tpu.memory_space<vmem>>[vector<16xi32>, vector<16xi32>], vector<16xf32>,
          %sub3A_297 = arith.subf %gather3A_296, %mul3A_51 : vector<16xf32>
          %slice3A_298 = vector.extract_strided_slice %get3A_112 {offsets = [12], sizes = [1], strides = [1]} : vector<16xf32> to vector<1xf32>
          %squeeze3A_299 = vector.extract %slice3A_298[0] : f32 from vector<1xf32>
          %mul3A_300 = vector.broadcast %squeeze3A_299 : f32 to vector<16xf32>
          %mul3A_301 = arith.mulf %mul3A_99, %mul3A_300 : vector<16xf32>
          %mul3A_302 = arith.mulf %sub3A_297, %mul3A_301 : vector<16xf32>
          %slice3A_303 = vector.extract_strided_slice %get3A_114 {offsets = [12], sizes = [1], strides = [1]} : vector<16xf32> to vector<1xf32>
          %squeeze3A_304 = vector.extract %slice3A_303[0] : f32 from vector<1xf32>
          %add3A_305 = vector.broadcast %squeeze3A_304 : f32 to vector<16xf32>
          %add3A_306 = arith.addf %mul3A_302, %add3A_305 : vector<16xf32>
          tpu.vector_store_idx %arg10[%iota3A, %add3A_295], %add3A_306 : memref<16x768xf32, #tpu.memory_space<vmem>>[vector<16xi32>, vector<16xi32>], vector<16xf32>,
          %add3A_307 = arith.constant 13 : i32
          %add3A_308 = arith.addi %mul3A_111, %add3A_307 : i32
          %add3A_309 = vector.broadcast %add3A_308 : i32 to vector<16xi32>
          %add3A_310 = arith.addi %broadcast_in_dim3A_1, %add3A_309 : vector<16xi32>
          %gather3A_311 = tpu.vector_load_idx %arg10[%iota3A, %add3A_310] : memref<16x768xf32, #tpu.memory_space<vmem>>[vector<16xi32>, vector<16xi32>], vector<16xf32>,
          %sub3A_312 = arith.subf %gather3A_311, %mul3A_51 : vector<16xf32>
          %slice3A_313 = vector.extract_strided_slice %get3A_112 {offsets = [13], sizes = [1], strides = [1]} : vector<16xf32> to vector<1xf32>
          %squeeze3A_314 = vector.extract %slice3A_313[0] : f32 from vector<1xf32>
          %mul3A_315 = vector.broadcast %squeeze3A_314 : f32 to vector<16xf32>
          %mul3A_316 = arith.mulf %mul3A_99, %mul3A_315 : vector<16xf32>
          %mul3A_317 = arith.mulf %sub3A_312, %mul3A_316 : vector<16xf32>
          %slice3A_318 = vector.extract_strided_slice %get3A_114 {offsets = [13], sizes = [1], strides = [1]} : vector<16xf32> to vector<1xf32>
          %squeeze3A_319 = vector.extract %slice3A_318[0] : f32 from vector<1xf32>
          %add3A_320 = vector.broadcast %squeeze3A_319 : f32 to vector<16xf32>
          %add3A_321 = arith.addf %mul3A_317, %add3A_320 : vector<16xf32>
          tpu.vector_store_idx %arg10[%iota3A, %add3A_310], %add3A_321 : memref<16x768xf32, #tpu.memory_space<vmem>>[vector<16xi32>, vector<16xi32>], vector<16xf32>,
          %add3A_322 = arith.constant 14 : i32
          %add3A_323 = arith.addi %mul3A_111, %add3A_322 : i32
          %add3A_324 = vector.broadcast %add3A_323 : i32 to vector<16xi32>
          %add3A_325 = arith.addi %broadcast_in_dim3A_1, %add3A_324 : vector<16xi32>
          %gather3A_326 = tpu.vector_load_idx %arg10[%iota3A, %add3A_325] : memref<16x768xf32, #tpu.memory_space<vmem>>[vector<16xi32>, vector<16xi32>], vector<16xf32>,
          %sub3A_327 = arith.subf %gather3A_326, %mul3A_51 : vector<16xf32>
          %slice3A_328 = vector.extract_strided_slice %get3A_112 {offsets = [14], sizes = [1], strides = [1]} : vector<16xf32> to vector<1xf32>
          %squeeze3A_329 = vector.extract %slice3A_328[0] : f32 from vector<1xf32>
          %mul3A_330 = vector.broadcast %squeeze3A_329 : f32 to vector<16xf32>
          %mul3A_331 = arith.mulf %mul3A_99, %mul3A_330 : vector<16xf32>
          %mul3A_332 = arith.mulf %sub3A_327, %mul3A_331 : vector<16xf32>
          %slice3A_333 = vector.extract_strided_slice %get3A_114 {offsets = [14], sizes = [1], strides = [1]} : vector<16xf32> to vector<1xf32>
          %squeeze3A_334 = vector.extract %slice3A_333[0] : f32 from vector<1xf32>
          %add3A_335 = vector.broadcast %squeeze3A_334 : f32 to vector<16xf32>
          %add3A_336 = arith.addf %mul3A_332, %add3A_335 : vector<16xf32>
          tpu.vector_store_idx %arg10[%iota3A, %add3A_325], %add3A_336 : memref<16x768xf32, #tpu.memory_space<vmem>>[vector<16xi32>, vector<16xi32>], vector<16xf32>,
          %add3A_337 = arith.constant 15 : i32
          %add3A_338 = arith.addi %mul3A_111, %add3A_337 : i32
          %add3A_339 = vector.broadcast %add3A_338 : i32 to vector<16xi32>
          %add3A_340 = arith.addi %broadcast_in_dim3A_1, %add3A_339 : vector<16xi32>
          %gather3A_341 = tpu.vector_load_idx %arg10[%iota3A, %add3A_340] : memref<16x768xf32, #tpu.memory_space<vmem>>[vector<16xi32>, vector<16xi32>], vector<16xf32>,
          %sub3A_342 = arith.subf %gather3A_341, %mul3A_51 : vector<16xf32>
          %slice3A_343 = vector.extract_strided_slice %get3A_112 {offsets = [15], sizes = [1], strides = [1]} : vector<16xf32> to vector<1xf32>
          %squeeze3A_344 = vector.extract %slice3A_343[0] : f32 from vector<1xf32>
          %mul3A_345 = vector.broadcast %squeeze3A_344 : f32 to vector<16xf32>
          %mul3A_346 = arith.mulf %mul3A_99, %mul3A_345 : vector<16xf32>
          %mul3A_347 = arith.mulf %sub3A_342, %mul3A_346 : vector<16xf32>
          %slice3A_348 = vector.extract_strided_slice %get3A_114 {offsets = [15], sizes = [1], strides = [1]} : vector<16xf32> to vector<1xf32>
          %squeeze3A_349 = vector.extract %slice3A_348[0] : f32 from vector<1xf32>
          %add3A_350 = vector.broadcast %squeeze3A_349 : f32 to vector<16xf32>
          %add3A_351 = arith.addf %mul3A_347, %add3A_350 : vector<16xf32>
          tpu.vector_store_idx %arg10[%iota3A, %add3A_340], %add3A_351 : memref<16x768xf32, #tpu.memory_space<vmem>>[vector<16xi32>, vector<16xi32>], vector<16xf32>,
          %scan3A_352 = arith.constant 0 : i32
          scf.yield %scan3A_352 : i32
        }
        %scan3A_106 = arith.constant 48 : i32
        "tpu.region"() ({
          %run_scoped3A = tpu.sem_alloc : memref<!tpu.dma_semaphore, #tpu.memory_space<semaphore_mem>>
          %dma_start3A_108 = arith.constant 0 : i32
          %dma_start3A_109 = tpu.memref_slice %arg8[%add3A_37, %dma_start3A_108] : memref<131072x768xf32, #tpu.memory_space<hbm>> -> memref<16x768xf32, #tpu.memory_space<hbm>>
          %dma_start3A_110 = arith.constant 0 : i32
          %dma_start3A_111 = tpu.memref_slice %arg8[%add3A_37, %dma_start3A_110] : memref<131072x768xf32, #tpu.memory_space<hbm>> -> memref<16x768xf32, #tpu.memory_space<hbm>>
          tpu.enqueue_dma source(%arg10 : memref<16x768xf32, #tpu.memory_space<vmem>>) target(%dma_start3A_111 : memref<16x768xf32, #tpu.memory_space<hbm>>) target_semaphore(%run_scoped3A : memref<!tpu.dma_semaphore, #tpu.memory_space<semaphore_mem>>)
          %dma_wait3A_112 = arith.constant 0 : i32
          %dma_wait3A_113 = tpu.memref_slice %arg8[%add3A_37, %dma_wait3A_112] : memref<131072x768xf32, #tpu.memory_space<hbm>> -> memref<16x768xf32, #tpu.memory_space<hbm>>
          %dma_wait3A_114 = arith.constant 0 : i32
          %dma_wait3A_115 = tpu.memref_slice %arg8[%add3A_37, %dma_wait3A_114] : memref<131072x768xf32, #tpu.memory_space<hbm>> -> memref<16x768xf32, #tpu.memory_space<hbm>>
          tpu.wait_dma2 semaphore(%run_scoped3A : memref<!tpu.dma_semaphore, #tpu.memory_space<semaphore_mem>>) src(%arg10 : memref<16x768xf32, #tpu.memory_space<vmem>>) dst(%dma_wait3A_115 : memref<16x768xf32, #tpu.memory_space<hbm>>)
          tpu.yield
        }) : () -> ()
        %scan3A_107 = arith.constant 0 : i32
        scf.yield %scan3A_107 : i32
      }
      %scan3A_26 = arith.constant 32 : i32
      %scan3A_27 = arith.constant 0 : i32
      scf.yield %scan3A_27 : i32
    }
    %scan3A_8 = arith.constant 8 : i32
    return
  }
}

</mosaic_0001>

<sc_bundles>
// kernel: kernel.3.cloned.1.call-start
scs
__scs_entry_jumppad:
0x0: {  	(pc) =	sbr.rel $0x88, $3  }
0x1: {  	(tag) =	ssettag $0x0;
	lr =	simm.s32 $0x1  }
0x2: {  	[smem:$0x3F9B] =	sst lr;
	_ =	strace $0xD0000000  }
0x3: {  	_ = 	snop  }
0x4: {  	_ = 	snop  }
0x5: {  	_ = 	snop  }
0x6: {  	_ = 	snop  }
0x7: {  	_ = 	snop  }
__scs_overlays_trampoline_lowered:
0x8: {  	[smem:$0x3FAA] =	sst s0  }
0x9: {  	[smem:$0x3FAB] =	sst s1  }
0xa: {  	[smem:$0x3FAC] =	sst s2  }
0xb: {  	[smem:$0x3FAD] =	sst s3  }
0xc: {  	[smem:$0x3FAE] =	sst s4  }
0xd: {  	[smem:$0x3FAF] =	sst s5  }
0xe: {  	[smem:$0x3FB0] =	sst s6  }
0xf: {  	[smem:$0x3FB1] =	sst s7  }
0x10: {  	[smem:$0x3FB2] =	sst s8  }
0x11: {  	[smem:$0x3FB3] =	sst s9;
	s0 =	simm.s32 @!p0 $0x0  }
0x12: {  	s1 =	sld [smem:$0x3F99];
	s0 =	simm.s32 @p0 $0x1  }
0x13: {  	[smem:$0x3FB4] =	sst s0;
	s0 =	simm.s32 @!p1 $0x0  }
0x14: {  	s2 =	sld [smem:$0x3F98];
	s0 =	simm.s32 @p1 $0x1  }
0x15: {  	[smem:$0x3FB5] =	sst s0;
	s0 =	simm.s32 @!p2 $0x0  }
0x16: {  	s3 =	sld [smem:$0x3FDB];
	s0 =	simm.s32 @p2 $0x1  }
0x17: {  	s4 =	simm.s32 $0x1BF5;
	[smem:$0x3FB7] =	sst s0  }
0x18: {  	s0 =	sld [smem:$0x3F9A];
	_ =	swait.ge [sflag:s4], $0x0  }
0x19: {  	s7 =	sld [smem:$0x3F9B]  }
0x1a: {  	s8 =	sadd.s32 $0xFFFFE003, lr  }
0x1b: {  	s9 =	sadd.s32 $0xFFFFFEF7, lr;
	s5 =	simm.s32 $0xFFFFFFFF;
	p2 =	slt.u32 s8, $0xFFFFF086  }
0x1c: {  	p1 =	slt.u32 s9, $0xF7A;
	s5 =	simm.s32 @!p2 $0x0  }
0x1d: {  	s5 =	simm.s32 @p1 $0x1;
	p0 =	seq.s32 s7, s2  }
0x1e: {  	s7 =	smul.u32 @!p0 $0xF7A, s2;
	p2 =	seq.s32 @!p0 s5, $0x0  }
0x1f: {  	s9 =	smul.u32 $0xF7A, s1;
	s8 =	simm.s32 @!p0 $0x1BF5;
	p2 =	por !p2, p0  }
0x20: {  	[sflag:s8] =	ssyncset.s32 @!p0 $0xFFFFF086;
	s6 =	sadd.s32 @!p0 s3, s7;
	s7 =	simm.s32 @!p0 $0x108  }
0x21: {  	s3 =	sadd.s32 s3, s9;
	s6 =	sadd.s32 @!p0 $0x88, s6;
	s7 =	simm.s32 @p2 $0x1082  }
0x22: {  	[simem:s7], [sflag:s8] =	dma.local @!p0 [hbm:s6], $0xF7A  }
0x23: {  	s9 =	sor.u32 $0xD0000000, s2;
	s6 =	simm.s32 $0x108;
	_ =	swait.ge @!p0 [sflag:s8], $0x0  }
0x24: {  	s3 =	sadd.s32 $0x88, s3;
	s6 =	simm.s32 @!p1 $0x1082;
	[sflag:s4] =	ssyncset.s32 $0xFFFFF086  }
0x25: {  	[simem:s6], [sflag:s4] =	dma.local [hbm:s3], $0xF7A  }
0x26: {  	[smem:$0x3F9B] =	sst s1;
	(tag) =	ssettag s2;
	_ =	strace s9  }
0x27: {  	s1 =	sld [smem:$0x3FAB]  }
0x28: {  	s2 =	sld [smem:$0x3FAC]  }
0x29: {  	s4 =	sld [smem:$0x3FAE]  }
0x2a: {  	p0 =	seq.s32 s5, $0x0;
	s5 =	sld [smem:$0x3FAF]  }
0x2b: {  	s6 =	sld [smem:$0x3FB0]  }
0x2c: {  	s7 =	sld [smem:$0x3FB1]  }
0x2d: {  	s3 =	simm.s32 $0x108;
	s8 =	sld [smem:$0x3FB2]  }
0x2e: {  	s3 =	simm.s32 @!p0 $0x1082;
	s9 =	sld [smem:$0x3FB3]  }
0x2f: {  	lr =	sadd.s32 s0, s3;
	s0 =	sld [smem:$0x3FAA]  }
0x30: {  	s3 =	sld [smem:$0x3FAD]  }
0x31: {  	[smem:$0x3FB6] =	sst s10  }
0x32: {  	s10 =	sld [smem:$0x3FB4];
	_ =	sdelay $0x3  }
0x33: {  	p0 =	seq.s32 s10, $0x1;
	s10 =	sld [smem:$0x3FB6];
	_ =	sdelay $0x3  }
0x34: {  	[smem:$0x3FB6] =	sst s10  }
0x35: {  	s10 =	sld [smem:$0x3FB5];
	_ =	sdelay $0x3  }
0x36: {  	p1 =	seq.s32 s10, $0x1;
	s10 =	sld [smem:$0x3FB6];
	_ =	sdelay $0x3  }
0x37: {  	[smem:$0x3FB6] =	sst s10  }
0x38: {  	s10 =	sld [smem:$0x3FB7]  }
0x39: {  	_ = 	snop;
	(pc) =	sbr.ind lr, $3  }
0x3a: {  	_ = 	snop  }
0x3b: {  	_ = 	snop  }
0x3c: {  	p2 =	seq.s32 s10, $0x1;
	s10 =	sld [smem:$0x3FB6]  }
0x3d: {  	_ =	shalt  }
0x3e: {  	_ =	shalt  }
0x3f: {  	_ =	shalt  }
0x40: {  	_ =	shalt  }
0x41: {  	_ =	shalt  }
0x42: {  	_ =	shalt  }
0x43: {  	_ =	shalt  }
0x44: {  	_ =	shalt  }
0x45: {  	_ =	shalt  }
0x46: {  	_ =	shalt  }
0x47: {  	_ =	shalt  }
0x48: {  	_ =	shalt  }
0x49: {  	_ =	shalt  }
0x4a: {  	_ =	shalt  }
0x4b: {  	_ =	shalt  }
0x4c: {  	_ =	shalt  }
0x4d: {  	_ =	shalt  }
0x4e: {  	_ =	shalt  }
0x4f: {  	_ =	shalt  }
0x50: {  	_ =	shalt  }
0x51: {  	_ =	shalt  }
0x52: {  	_ =	shalt  }
0x53: {  	_ =	shalt  }
0x54: {  	_ =	shalt  }
0x55: {  	_ =	shalt  }
0x56: {  	_ =	shalt  }
0x57: {  	_ =	shalt  }
0x58: {  	_ =	shalt  }
0x59: {  	_ =	shalt  }
0x5a: {  	_ =	shalt  }
0x5b: {  	_ =	shalt  }
0x5c: {  	_ =	shalt  }
0x5d: {  	_ =	shalt  }
0x5e: {  	_ =	shalt  }
0x5f: {  	_ =	shalt  }
0x60: {  	_ =	shalt  }
0x61: {  	_ =	shalt  }
0x62: {  	_ =	shalt  }
0x63: {  	_ =	shalt  }
0x64: {  	_ =	shalt  }
0x65: {  	_ =	shalt  }
0x66: {  	_ =	shalt  }
0x67: {  	_ =	shalt  }
0x68: {  	_ =	shalt  }
0x69: {  	_ =	shalt  }
0x6a: {  	_ =	shalt  }
0x6b: {  	_ =	shalt  }
0x6c: {  	_ =	shalt  }
0x6d: {  	_ =	shalt  }
0x6e: {  	_ =	shalt  }
0x6f: {  	_ =	shalt  }
0x70: {  	_ =	shalt  }
0x71: {  	_ =	shalt  }
0x72: {  	_ =	shalt  }
0x73: {  	_ =	shalt  }
0x74: {  	_ =	shalt  }
0x75: {  	_ =	shalt  }
0x76: {  	_ =	shalt  }
0x77: {  	_ =	shalt  }
0x78: {  	_ =	shalt  }
0x79: {  	_ =	shalt  }
0x7a: {  	_ =	shalt  }
0x7b: {  	_ =	shalt  }
0x7c: {  	_ =	shalt  }
0x7d: {  	_ =	shalt  }
0x7e: {  	_ =	shalt  }
0x7f: {  	_ =	shalt  }
0x80: {  	_ =	shalt  }
0x81: {  	_ =	shalt  }
0x82: {  	_ =	shalt  }
0x83: {  	_ =	shalt  }
0x84: {  	_ =	shalt  }
0x85: {  	_ =	shalt  }
0x86: {  	_ =	shalt  }
0x87: {  	_ =	shalt  }
.Lfunc_end0:
.L_simem_size_0:
called_computation_lowered:
.L_overlay_start_0:
0x88: {  	s2 =	sld [smem:$0x3FD9]  }
0x89: {  	s3 =	sld [smem:$0x3FFE];
	_ =	sdelay $0x1  }
0x8a: {  	s1 =	srdreg.scid  }
0x8b: {  	s0 =	sand.u32 $0x1, s1  }
0x8c: {  	s17 =	sshll.u32 s0, $0xA;
	s2 =	sadd.s32 s3, s2  }
0x8d: {  	s2 =	sadd.s32 s2, s17  }
0x8e: {  	[smem:$0x3FC2] =	sst s2  }
0x8f: {  	_ = 	snop  }
0x90: {  	s2 =	sld [smem:$0x3FC9]  }
0x91: {  	s18 =	sld [smem:$0x3FC8]  }
0x92: {  	s4 =	sld [smem:$0x3FC5]  }
0x93: {  	s5 =	sld [smem:$0x3FC4]  }
0x94: {  	s6 =	sld [smem:$0x3FD0];
	(tm) =	ssettm $0x1  }
0x95: {  	s7 =	sld [smem:$0x3FFB];
	_ =	sdelay $0x3  }
0x96: {  	_ =	strace s7  }
0x97: {  	s7 =	sld [smem:$0x3FFC];
	_ =	sdelay $0x3  }
0x98: {  	_ =	strace s7  }
0x99: {  	s7 =	sld [smem:$0x3FFD];
	_ =	sdelay $0x3  }
0x9a: {  	_ =	strace s7  }
0x9b: {  	_ =	strace $0x8FFFFFFF  }
0x9c: {  	s19 =	sld [smem:$0x3FDB];
	_ =	sdelay $0x1  }
0x9d: {  	s8 =	simm.s32 $_scs_section_size  }
0x9e: {  	s9 =	simm.s32 $_size__tile_overlayer_lowered;
	s10 =	simm.s32 $_tile_overlayer_lowered  }
0x9f: {  	s22 =	simm.s32 $0x1BFF;
	s21 =	sshll.u32 s10, $0x1;
	s7 =	sadd.s32 s8, s19  }
0xa0: {  	s11 =	simm.s32 $0x0;
	s20 =	sshll.u32 s9, $0x1;
	s9 =	sadd.s32 s21, s7  }
0xa1: {  	[timem:s11], [sflag:s22] =	dma.local [hbm:s9], s20  }
0xa2: {  	_ =	swait.ge [sflag:s22], s20  }
0xa3: {  	s8 =	ssub.s32 $0x0, s20;
	[sflag:s22] =	ssyncset.done $0x0  }
0xa4: {  	[sflag:s22] =	ssyncadd.s32 s8;
	_ =	sdelay $0x1  }
0xa5: {  	s23 =	simm.s32 $0x1B8B  }
0xa6: {  	_ =	swait.ge [sflag:s23], $0x1  }
0xa7: {  	[sflag:s23] =	ssyncset.done $0x0  }
0xa8: {  	s25 =	simm.s32 $0x1B8E;
	s24 =	sld [smem:$0x3FFE];
	[sflag:s23] =	ssyncadd.s32 $0xFFFFFFFF  }
0xa9: {  	s26 =	simm.s32 $execute0_lowered;
	[smem:$0x3FD2] =	sst s25  }
0xaa: {  	s9 =	sshll.u32 s26, $0x1;
	_ =	strace $0x80000046;
	[dreg:$0x1] =	wrdreg $0xFFFFFFFF  }
0xab: {  	s28 =	simm.s32 $_size_execute0_lowered;
	s7 =	sadd.s32 s7, s9;
	[dreg:$0x0] =	wrdreg $0x0  }
0xac: {  	s9 =	sshll.u32 s28, $0x1;
	[dreg:$0x2] =	wrdreg s7  }
0xad: {  	[dreg:$0x3] =	wrdreg s9  }
0xae: {  	[dreg:$0x4] =	wrdreg $0xC0  }
0xaf: {  	_ =	task [dreg:s11], $0x5FFFF  }
0xb0: {  	[dreg:$0x1] =	wrdreg $0xFFFFFFFF  }
0xb1: {  	[dreg:$0x0] =	wrdreg $0x60  }
0xb2: {  	[dreg:$0x2] =	wrdreg s2  }
0xb3: {  	[dreg:$0x3] =	wrdreg s18  }
0xb4: {  	[dreg:$0x4] =	wrdreg s24  }
0xb5: {  	[dreg:$0x5] =	wrdreg s4  }
0xb6: {  	[dreg:$0x6] =	wrdreg s5  }
0xb7: {  	[dreg:$0x7] =	wrdreg s6  }
0xb8: {  	[dreg:$0x8] =	wrdreg $0x9  }
0xb9: {  	_ =	task.clear_ibuf [dreg:s11], $0x9FFFF;
	_ =	strace $0x90000046  }
0xba: {  	s29 =	simm.s32 $0x9;
	_ =	strace $0x80000048  }
0xbb: {  	_ =	swait.ge [sflag:s29], $0x1  }
0xbc: {  	[sflag:s29] =	ssyncadd.s32 $0xFFFFFFFF  }
0xbd: {  	_ =	strace $0x90000048  }
0xbe: {  	_ =	sfence  }
0xbf: {  	s30 =	sld [smem:$0x0];
	_ =	sdelay $0x2  }
0xc0: {  	s31 =	sshll.u32 s1, $0xD;
	s1 =	sshrl.u32 s1, $0x2  }
0xc1: {  	s3 =	sand.u32 $0x4000, s31;
	s1 =	sadd.s32 s1, s30  }
0xc2: {  	s0 =	sor.u32 s3, s0;
	s1 =	sshll.u32 s1, $0x11  }
0xc3: {  	s0 =	sor.u32 s1, s0  }
0xc4: {  	s0 =	sadd.s32 $0x8F2B, s0  }
0xc5: {  	[sflag:s0] =	ssyncadd.remote.s32 $0x1  }
0xc6: {  	_ =	sfence.sel $0xFFFF  }
0xc7: {  	[dreg:$0x0] =	wrdreg $0xFFFFFFFF;
	(pc) =	sbr.abs _section_cstart, $3  }
0xc8: {  	[dreg:$0x1] =	wrdreg $0xFFFFFFFF  }
0xc9: {  	_ =	task.clear_ibuf [dreg:s11], $0x2FFFF;
	_ =	strace $0x9FFFFFFF  }
0xca: {  	(tm) =	ssettm $0x7FFFFFFF  }
0xcb: {  	_ =	shalt  }
tec
execute0_lowered:
.L_overlay_start_1:
0x0: {  	(tag) =	ssettag $0x1  }
0x1: {  	v0 =	vimm.s32 $0x1B80;
	vm0 =	vcmask $0x300  }
0x2: {  	v0 =	vsel vm0, $0x0, v0;
	vm0 =	vcmask $0x704  }
0x3: {  	v0 =	vsel vm0, $0x80, v0;
	vm0 =	vcmask $0xB08  }
0x4: {  	s0 =	rddreg [dreg:$0x0];
	v0 =	vsel vm0, $0x100, v0;
	vm0 =	vcmask $0xF0C  }
0x5: {  	s1 =	rddreg [dreg:$0x1];
	v0 =	vsel vm0, $0x180, v0;
	vm0 =	vcmask $0x1310  }
0x6: {  	s2 =	rddreg [dreg:$0x2];
	v0 =	vsel vm0, $0x200, v0;
	vm0 =	vcmask $0x1714  }
0x7: {  	s6 =	rddreg [dreg:$0x5];
	v0 =	vsel vm0, $0x280, v0;
	vm0 =	vcmask $0x1B18  }
0x8: {  	s7 =	simm.s32 $0x0;
	s3 =	srdreg.scid;
	s8 =	stileid.u32;
	v0 =	vsel vm0, $0x300, v0;
	vm0 =	vcmask $0x1F1C  }
0x9: {  	s15 =	simm.s32 $0x2;
	s17 =	simm.s32 $0x6680;
	s18 =	simm.s32 $0x6000;
	v0 =	vsel vm0, $0x380, v0;
	vm0 =	vcmask $0x2320  }
0xa: {  	s19 =	simm.s32 $0x3000;
	s20 =	simm.s32 $0x3800;
	s21 =	simm.s32 $0x4000;
	v0 =	vsel vm0, $0x1800, v0;
	vm0 =	vcmask $0x2724  }
0xb: {  	s22 =	simm.s32 $0x4800;
	s23 =	simm.s32 $0x5000;
	s24 =	simm.s32 $0x5800;
	v0 =	vsel vm0, $0x1880, v0;
	vm0 =	vcmask $0x2B28  }
0xc: {  	v2 =	vlaneseq.u32;
	s25 =	simm.s32 $0x1;
	s26 =	simm.s32 $0x0;
	s3 =	sand.u32 $0x1, s3;
	v1 =	vsel vm0, $0x1900, v0;
	vm0 =	vcmask $0x2F2C  }
0xd: {  	vm1 =	vcmask $0x3B38;
	[smem:$0x7FF] =	sst s7;
	s9 =	sadd.s32 $0x200, s2;
	s4 =	ssub.s32 $0x2, s3;
	v1 =	vsel vm0, $0x1980, v1;
	vm0 =	vcmask $0x3330  }
0xe: {  	s8 =	sshll.u32 s8, $0x6;
	s11 =	sadd.s32 $0x100, s1;
	v3 =	vshrl.u32 v2, $0x3;
	s5 =	sshrl.u32 s4, $0x1;
	v4 =	vsel vm0, $0x1A00, v1;
	vm0 =	vcmask $0x3734  }
0xf: {  	s12 =	sadd.s32 $0x200, s1;
	s3 =	sshll.u32 s3, $0x5;
	s4 =	ssub.s32 s4, s5;
	v0 =	vand.u32 $0x7, v2;
	v1 =	vmul.u32 $0x8, v3;
	v3 =	vsel vm0, $0x1A80, v4  }
0x10: {  	_ =	strace $0x80000047;
	s10 =	sor.u32 s3, s8;
	s13 =	smax.u32 s4, $0x1;
	v2 =	vor.u32 $0x8, v2;
	vm0 =	vmmov $0xffff;
	v3 =	vsel vm1, $0x1B00, v3  }
.LBB2_1:
0x11: {  	s3 =	simm.s32 $0x6080  }
0x12: {  	[tilespmem:s3], [sflag:$0x2] =	stream.linear.gather [hbm4b:s2+s7], $0x300, $0x38;
	[tilespmem:$0x6980] =	vst v63  }
0x13: {  	_ =	swait.ge [sflag:s15], $0x300  }
0x14: {  	[sflag:s15] =	ssyncset.done $0x0  }
0x15: {  	[sflag:s15] =	ssyncadd.s32 $0xFFFFFD00  }
0x16: {  	s4 =	simm.s32 $0x6380;
	s30 =	rddreg [dreg:$0x3]  }
0x17: {  	[tilespmem:s4], [sflag:$0x2] =	stream.linear.gather [hbm4b:s30+s7], $0x300, $0x38;
	[tilespmem:$0x6980] =	vst v63  }
0x18: {  	_ =	swait.ge [sflag:s15], $0x300  }
0x19: {  	[sflag:s15] =	ssyncset.done $0x0  }
0x1a: {  	[sflag:s15] =	ssyncadd.s32 $0xFFFFFD00  }
0x1b: {  	s31 =	rddreg [dreg:$0x4]  }
0x1c: {  	[tilespmem:s17], [sflag:$0x2] =	stream.linear.gather [hbm4b:s31+s7], $0x300, $0x38;
	[tilespmem:$0x6980] =	vst v63  }
0x1d: {  	_ =	swait.ge [sflag:s15], $0x300  }
0x1e: {  	[sflag:s15] =	ssyncset.done $0x0  }
0x1f: {  	s28 =	simm.s32 $0x0;
	[sflag:s15] =	ssyncadd.s32 $0xFFFFFD00  }
.LBB2_2:
0x20: {  	s3 =	smul.u32 $0x600, s28;
	_ =	sdelay $0x1  }
0x21: {  	s4 =	simm.s32 $0x0;
	s3 =	sadd.s32 s9, s3  }
0x22: {  	[tilespmem:s4], [sflag:$0x2] =	stream.linear.gather [hbm4b:s3+s4], $0x3000, $0x38;
	[tilespmem:$0x6980] =	vst v63  }
0x23: {  	_ =	swait.ge [sflag:s15], $0x3000  }
0x24: {  	s31 =	sand.u32 $0x70, s4;
	s5 =	sand.u32 $0x1C00, s4;
	[sflag:s15] =	ssyncset.done $0x0  }
0x25: {  	s3 =	sor.u32 s31, s5;
	[sflag:s15] =	ssyncadd.s32 $0xFFFFD000  }
0x26: {  	s5 =	simm.s32 $0x6080;
	v5 =	vld [tilespmem:s3+$0x280]  }
0x27: {  	v4 =	vld [tilespmem:s5+$0x0]  }
0x28: {  	v6 =	vld [tilespmem:s3+$0x100]  }
0x29: {  	v7 =	vld [tilespmem:s3+$0x80]  }
0x2a: {  	v8 =	vld [tilespmem:s3+$0x180]  }
0x2b: {  	v9 =	vld [tilespmem:s3+$0x0]  }
0x2c: {  	v10 =	vld [tilespmem:s3+$0x300];
	v5 =	vadd.f32 v5, v4  }
0x2d: {  	v11 =	vld [tilespmem:s3+$0x200];
	v6 =	vadd.f32 v6, v4  }
0x2e: {  	v7 =	vadd.f32 v7, v4;
	[tilespmem:s3+$0x280] =	vst v5  }
0x2f: {  	v5 =	vadd.f32 v8, v4;
	[tilespmem:s3+$0x100] =	vst v6  }
0x30: {  	v6 =	vadd.f32 v9, v4;
	[tilespmem:s3+$0x80] =	vst v7  }
0x31: {  	v7 =	vadd.f32 v10, v4;
	[tilespmem:s3+$0x180] =	vst v5  }
0x32: {  	v5 =	vadd.f32 v11, v4;
	[tilespmem:s3+$0x0] =	vst v6  }
0x33: {  	s8 =	sor.u32 s4, s4;
	[tilespmem:s3+$0x300] =	vst v7  }
0x34: {  	s29 =	sor.u32 $0x380, s8;
	[tilespmem:s3+$0x200] =	vst v5  }
0x35: {  	s8 =	simm.s32 $0x10;
	v5 =	vld [tilespmem:s29+$0x0]  }
.LBB2_3:
0x36: {  	_ =	sdelay $0x1  }
0x37: {  	p0 =	sne.s32 s8, $0x2F0;
	s4 =	sadd.s32 $0x80, s4;
	s5 =	sadd.s32 $0x10, s5  }
0x38: {  	s14 =	smov.u32 s8;
	s8 =	sadd.s32 $0x10, s8  }
0x39: {  	v5 =	vadd.f32 v5, v4;
	_ =	sdelay $0x1  }
0x3a: {  	[tilespmem:s29+$0x0] =	vst v5  }
0x3b: {  	v5 =	vld [tilespmem:s3+$0x1800]  }
0x3c: {  	v6 =	vld [tilespmem:s3+$0x1880]  }
0x3d: {  	v7 =	vld [tilespmem:s3+$0x1900]  }
0x3e: {  	v8 =	vld [tilespmem:s3+$0x1980]  }
0x3f: {  	v9 =	vld [tilespmem:s3+$0x1A00]  }
0x40: {  	v5 =	vadd.f32 v5, v4;
	v10 =	vld [tilespmem:s3+$0x1A80]  }
0x41: {  	v6 =	vadd.f32 v6, v4;
	v11 =	vld [tilespmem:s3+$0x1B00]  }
0x42: {  	s16 =	sand.u32 $0x70, s14;
	s29 =	sand.u32 $0x1C00, s4;
	[tilespmem:s3+$0x1800] =	vst v5;
	v5 =	vadd.f32 v7, v4;
	v7 =	vld [tilespmem:s3+$0x1B80]  }
0x43: {  	s16 =	sor.u32 s16, s29;
	[tilespmem:s3+$0x1880] =	vst v6;
	v6 =	vadd.f32 v8, v4  }
0x44: {  	v8 =	vld [tilespmem:s16+$0x300];
	[tilespmem:s3+$0x1900] =	vst v5;
	v5 =	vadd.f32 v9, v4  }
0x45: {  	v9 =	vld [tilespmem:s16+$0x80];
	[tilespmem:s3+$0x1980] =	vst v6;
	v6 =	vadd.f32 v10, v4  }
0x46: {  	[tilespmem:s3+$0x1A00] =	vst v5;
	v5 =	vadd.f32 v11, v4  }
0x47: {  	v10 =	vld [tilespmem:s16+$0x180];
	[tilespmem:s3+$0x1A80] =	vst v6;
	v4 =	vadd.f32 v7, v4  }
0x48: {  	v6 =	vld [tilespmem:s16+$0x100];
	[tilespmem:s3+$0x1B00] =	vst v5  }
0x49: {  	v5 =	vld [tilespmem:s16+$0x280];
	[tilespmem:s3+$0x1B80] =	vst v4;
	s3 =	smov.u32 s16  }
0x4a: {  	v4 =	vld [tilespmem:s5+$0x0]  }
0x4b: {  	v7 =	vld [tilespmem:s3+$0x0]  }
0x4c: {  	v11 =	vld [tilespmem:s3+$0x200];
	_ =	sdelay $0x2  }
0x4d: {  	v10 =	vadd.f32 v10, v4;
	v5 =	vadd.f32 v5, v4  }
0x4e: {  	v6 =	vadd.f32 v6, v4;
	v7 =	vadd.f32 v7, v4  }
0x4f: {  	v9 =	vadd.f32 v9, v4;
	v11 =	vadd.f32 v11, v4;
	[tilespmem:s3+$0x280] =	vst v5  }
0x50: {  	v5 =	vadd.f32 v8, v4;
	[tilespmem:s3+$0x100] =	vst v6  }
0x51: {  	[tilespmem:s3+$0x80] =	vst v9  }
.Ltmp0:
0x52: {  	[tilespmem:s3+$0x180] =	vst v10;
	(pc) =	sbr.rel @p0 .LBB2_3-.Ltmp0, $4  }
0x53: {  	[tilespmem:s3+$0x0] =	vst v7  }
0x54: {  	s14 =	sor.u32 s4, s14;
	[tilespmem:s3+$0x300] =	vst v5  }
0x55: {  	s29 =	sor.u32 $0x380, s14;
	[tilespmem:s3+$0x200] =	vst v11  }
0x56: {  	v5 =	vld [tilespmem:s29+$0x0]  }
0x57: {  	_ =	sdelay $0x3  }
0x58: {  	v5 =	vadd.f32 v5, v4;
	_ =	sdelay $0x1  }
0x59: {  	[tilespmem:s29+$0x0] =	vst v5  }
0x5a: {  	v5 =	vld [tilespmem:s3+$0x1800]  }
0x5b: {  	v6 =	vld [tilespmem:s3+$0x1880]  }
0x5c: {  	v7 =	vld [tilespmem:s3+$0x1900]  }
0x5d: {  	v8 =	vld [tilespmem:s3+$0x1980]  }
0x5e: {  	v9 =	vld [tilespmem:s3+$0x1A00]  }
0x5f: {  	v10 =	vld [tilespmem:s3+$0x1A80];
	v5 =	vadd.f32 v5, v4  }
0x60: {  	v11 =	vld [tilespmem:s3+$0x1B00];
	v6 =	vadd.f32 v6, v4  }
0x61: {  	v61 =	vld [tilespmem:s3+$0x1B80];
	[tilespmem:s3+$0x1800] =	vst v5;
	v5 =	vadd.f32 v7, v4  }
0x62: {  	v62 =	vadd.f32 v8, v4;
	[tilespmem:s3+$0x1880] =	vst v6  }
0x63: {  	[tilespmem:s3+$0x1900] =	vst v5;
	v5 =	vadd.f32 v9, v4  }
0x64: {  	v63 =	vadd.f32 v10, v4;
	[tilespmem:s3+$0x1980] =	vst v62  }
0x65: {  	[tilespmem:s3+$0x1A00] =	vst v5;
	v5 =	vadd.f32 v11, v4  }
0x66: {  	[tilespmem:s3+$0x1A80] =	vst v63;
	v4 =	vadd.f32 v61, v4  }
0x67: {  	[tilespmem:s3+$0x1B00] =	vst v5  }
0x68: {  	s30 =	simm.s32 $0x0;
	s29 =	sshll.u32 s28, $0x1;
	[tilespmem:s3+$0x1B80] =	vst v4  }
.LBB2_5:
0x69: {  	s3 =	sadd.s32 s10, s30  }
0x6a: {  	s3 =	sshll.u32 s3, $0x4  }
0x6b: {  	s31 =	sadd.s32 s29, s3  }
0x6c: {  	s3 =	sadd.s32 s0, s31  }
0x6d: {  	[tilespmem:s18], [sflag:$0x2] =	stream.linear.gather [hbm4b:s3+s7], $0x10, $0x38;
	[tilespmem:$0x6980] =	vst v63  }
0x6e: {  	_ =	swait.ge [sflag:s15], $0x10  }
0x6f: {  	[sflag:s15] =	ssyncset.done $0x0  }
0x70: {  	[sflag:s15] =	ssyncadd.s32 $0xFFFFFFF0  }
0x71: {  	v4 =	vld [tilespmem:$0x6000];
	_ =	sdelay $0x4  }
0x72: {  	v5 =	vshrl.u32 v4, $0x3  }
0x73: {  	v5 =	vmul.u32 $0x30, v5  }
0x74: {  	v4 =	vand.u32 $0x7, v4  }
0x75: {  	v4 =	vor.u32 v4, v5  }
0x76: {  	v5 =	vperm.xlane v4, v0;
	_ =	sdelay $0x1  }
0x77: {  	v5 =	vadd.s32 v1, v5;
	_ =	sdelay $0x3  }
0x78: {  	v4 =	vperm.xlane v4, v2  }
0x79: {  	[tilespmem:s19], [sflag:$0x1] =	stream.indirect_vreg.gather [hbm4b:s1+s7], $0x80, v5, vm0, $0xb8;
	[tilespmem:$0x6980] =	vst v63  }
0x7a: {  	v4 =	vadd.s32 v1, v4  }
0x7b: {  	[tilespmem:s20], [sflag:$0x1] =	stream.indirect_vreg.gather [hbm4b:s11+s7], $0x80, v5, vm0, $0xb8;
	[tilespmem:$0x6980] =	vst v63  }
0x7c: {  	s5 =	simm.s32 $0x0  }
0x7d: {  	[tilespmem:s21], [sflag:$0x1] =	stream.indirect_vreg.gather [hbm4b:s12+s7], $0x80, v5, vm0, $0xb8;
	[tilespmem:$0x6980] =	vst v63  }
0x7e: {  	v5 =	vmov s5  }
0x7f: {  	v6 =	vshll.u32 v5, $0x3;
	[tilespmem:s22], [sflag:$0x1] =	stream.indirect_vreg.gather [hbm4b:s1+s7], $0x80, v4, vm0, $0xb8;
	[tilespmem:$0x6980] =	vst v63  }
0x80: {  	v5 =	vand.u32 $0x78, v5;
	v6 =	vand.u32 $0x1C00, v6  }
0x81: {  	v5 =	vor.u32 v5, v6;
	[tilespmem:s23], [sflag:$0x1] =	stream.indirect_vreg.gather [hbm4b:s11+s7], $0x80, v4, vm0, $0xb8;
	[tilespmem:$0x6980] =	vst v63  }
0x82: {  	v5 =	vadd.s32 v3, v5  }
0x83: {  	[tilespmem:s24], [sflag:$0x1] =	stream.indirect_vreg.gather [hbm4b:s12+s7], $0x80, v4, vm0, $0xb8;
	[tilespmem:$0x6980] =	vst v63  }
0x84: {  	_ =	swait.ge [sflag:s25], $0x3000  }
0x85: {  	[sflag:s25] =	ssyncset.done $0x0  }
0x86: {  	s8 =	simm.s32 $0x1;
	[sflag:s25] =	ssyncadd.s32 $0xFFFFD000  }
0x87: {  	v6 =	vmov s8;
	v4 =	vld.idx.msk [tilespmem:v5+s19+$0x0], $0xffff  }
0x88: {  	v8 =	vshll.u32 v6, $0x3;
	v7 =	vld.idx.msk [tilespmem:v5+s7+$0x0], $0xffff  }
0x89: {  	v6 =	vand.u32 $0x79, v6;
	v8 =	vand.u32 $0x1C00, v8  }
0x8a: {  	v6 =	vor.u32 v6, v8  }
0x8b: {  	v6 =	vadd.s32 v3, v6;
	_ =	sdelay $0x1  }
0x8c: {  	v4 =	vadd.f32 v7, v4;
	_ =	sdelay $0x1  }
0x8d: {  	s14 =	simm.s32 $0x2;
	[tilespmem:v5+s19+$0x0] =	vst.idx.msk $0xffff, v4  }
0x8e: {  	v7 =	vmov s14;
	v5 =	vld.idx.msk [tilespmem:v6+s19+$0x0], $0xffff  }
0x8f: {  	v9 =	vshll.u32 v7, $0x3;
	v8 =	vld.idx.msk [tilespmem:v6+s7+$0x0], $0xffff  }
0x90: {  	v7 =	vand.u32 $0x7A, v7;
	v9 =	vand.u32 $0x1C00, v9  }
0x91: {  	v7 =	vor.u32 v7, v9  }
0x92: {  	v7 =	vadd.s32 v3, v7;
	_ =	sdelay $0x1  }
0x93: {  	v5 =	vadd.f32 v8, v5;
	_ =	sdelay $0x1  }
0x94: {  	s16 =	simm.s32 $0x3;
	[tilespmem:v6+s19+$0x0] =	vst.idx.msk $0xffff, v5  }
0x95: {  	v8 =	vmov s16;
	v6 =	vld.idx.msk [tilespmem:v7+s19+$0x0], $0xffff  }
0x96: {  	v10 =	vshll.u32 v8, $0x3;
	v9 =	vld.idx.msk [tilespmem:v7+s7+$0x0], $0xffff  }
0x97: {  	v8 =	vand.u32 $0x7B, v8;
	v10 =	vand.u32 $0x1C00, v10  }
0x98: {  	v8 =	vor.u32 v8, v10  }
0x99: {  	v8 =	vadd.s32 v3, v8;
	_ =	sdelay $0x1  }
0x9a: {  	v6 =	vadd.f32 v9, v6;
	_ =	sdelay $0x1  }
0x9b: {  	s4 =	simm.s32 $0x4;
	[tilespmem:v7+s19+$0x0] =	vst.idx.msk $0xffff, v6  }
0x9c: {  	v9 =	vmov s4;
	v7 =	vld.idx.msk [tilespmem:v8+s19+$0x0], $0xffff  }
0x9d: {  	v11 =	vshll.u32 v9, $0x3;
	v10 =	vld.idx.msk [tilespmem:v8+s7+$0x0], $0xffff  }
0x9e: {  	v9 =	vand.u32 $0x7C, v9;
	v11 =	vand.u32 $0x1C00, v11  }
0x9f: {  	v9 =	vor.u32 v9, v11  }
0xa0: {  	v9 =	vadd.s32 v3, v9;
	_ =	sdelay $0x1  }
0xa1: {  	v7 =	vadd.f32 v10, v7;
	_ =	sdelay $0x1  }
0xa2: {  	s5 =	simm.s32 $0x5;
	[tilespmem:v8+s19+$0x0] =	vst.idx.msk $0xffff, v7  }
0xa3: {  	v10 =	vmov s5;
	v8 =	vld.idx.msk [tilespmem:v9+s19+$0x0], $0xffff  }
0xa4: {  	v12 =	vshll.u32 v10, $0x3;
	v11 =	vld.idx.msk [tilespmem:v9+s7+$0x0], $0xffff  }
0xa5: {  	v10 =	vand.u32 $0x7D, v10;
	v12 =	vand.u32 $0x1C00, v12  }
0xa6: {  	v10 =	vor.u32 v10, v12  }
0xa7: {  	v10 =	vadd.s32 v3, v10;
	_ =	sdelay $0x1  }
0xa8: {  	v8 =	vadd.f32 v11, v8;
	_ =	sdelay $0x1  }
0xa9: {  	s8 =	simm.s32 $0x6;
	[tilespmem:v9+s19+$0x0] =	vst.idx.msk $0xffff, v8  }
0xaa: {  	v11 =	vmov s8;
	v9 =	vld.idx.msk [tilespmem:v10+s19+$0x0], $0xffff  }
0xab: {  	v13 =	vshll.u32 v11, $0x3;
	v58 =	vld.idx.msk [tilespmem:v10+s7+$0x0], $0xffff  }
0xac: {  	v11 =	vand.u32 $0x7E, v11;
	v13 =	vand.u32 $0x1C00, v13  }
0xad: {  	v11 =	vor.u32 v11, v13  }
0xae: {  	v11 =	vadd.s32 v3, v11  }
0xaf: {  	v59 =	vimm.f32 $0.0e+00;
	v14 =	vmul.f32 v4, v4  }
0xb0: {  	v4 =	vadd.f32 v4, v59;
	v9 =	vadd.f32 v58, v9  }
0xb1: {  	v60 =	vmul.f32 v5, v5;
	v13 =	vadd.f32 v14, v59  }
0xb2: {  	s14 =	simm.s32 $0x7;
	v4 =	vadd.f32 v5, v4;
	[tilespmem:v10+s19+$0x0] =	vst.idx.msk $0xffff, v9  }
0xb3: {  	v61 =	vmov s14;
	v5 =	vmul.f32 v6, v6;
	v12 =	vadd.f32 v60, v13;
	v10 =	vld.idx.msk [tilespmem:v11+s19+$0x0], $0xffff  }
0xb4: {  	v63 =	vand.u32 $0x7F, v61;
	v4 =	vadd.f32 v6, v4;
	v6 =	vshll.u32 v61, $0x3;
	v15 =	vld.idx.msk [tilespmem:v11+s7+$0x0], $0xffff  }
0xb5: {  	v6 =	vand.u32 $0x1C00, v6;
	v62 =	vmul.f32 v7, v7;
	v5 =	vadd.f32 v5, v12  }
0xb6: {  	v6 =	vor.u32 v63, v6;
	v4 =	vadd.f32 v7, v4  }
0xb7: {  	v6 =	vadd.s32 v3, v6;
	v7 =	vmul.f32 v8, v8;
	v5 =	vadd.f32 v62, v5  }
0xb8: {  	v4 =	vadd.f32 v8, v4  }
0xb9: {  	v8 =	vmul.f32 v9, v9;
	v5 =	vadd.f32 v7, v5;
	v10 =	vadd.f32 v15, v10  }
0xba: {  	v4 =	vadd.f32 v9, v4  }
0xbb: {  	s16 =	simm.s32 $0x8;
	v5 =	vadd.f32 v8, v5;
	[tilespmem:v11+s19+$0x0] =	vst.idx.msk $0xffff, v10;
	v8 =	vmul.f32 v10, v10  }
0xbc: {  	v11 =	vmov s16;
	v4 =	vadd.f32 v10, v4;
	v7 =	vld.idx.msk [tilespmem:v6+s19+$0x0], $0xffff  }
0xbd: {  	s3 =	simm.s32 $0xF;
	s4 =	simm.s32 $0x17;
	v9 =	vand.u32 $0x78, v11;
	v10 =	vshll.u32 v11, $0x3;
	v5 =	vadd.f32 v8, v5;
	v8 =	vld.idx.msk [tilespmem:v6+s7+$0x0], $0xffff  }
.LBB2_6:
0xbe: {  	p0 =	sne.s32 s4, $0x2FF;
	v10 =	vand.u32 $0x1C00, v10;
	s5 =	smov.u32 s4;
	s4 =	sadd.s32 $0x8, s4  }
0xbf: {  	v9 =	vor.u32 v9, v10  }
0xc0: {  	v9 =	vadd.s32 v3, v9;
	_ =	sdelay $0x1  }
0xc1: {  	v7 =	vadd.f32 v8, v7;
	_ =	sdelay $0x1  }
0xc2: {  	v4 =	vadd.f32 v7, v4;
	[tilespmem:v6+s19+$0x0] =	vst.idx.msk $0xffff, v7;
	v6 =	vmul.f32 v7, v7  }
0xc3: {  	s8 =	sadd.s32 $0xFFFFFFFA, s3;
	v7 =	vld.idx.msk [tilespmem:v9+s19+$0x0], $0xffff  }
0xc4: {  	v10 =	vmov s8;
	v8 =	vld.idx.msk [tilespmem:v9+s7+$0x0], $0xffff;
	v5 =	vadd.f32 v6, v5  }
0xc5: {  	v6 =	vshll.u32 v10, $0x3  }
0xc6: {  	v10 =	vand.u32 $0x79, v10;
	v6 =	vand.u32 $0x1C00, v6  }
0xc7: {  	v6 =	vor.u32 v10, v6  }
0xc8: {  	v6 =	vadd.s32 v3, v6;
	_ =	sdelay $0x1  }
0xc9: {  	v7 =	vadd.f32 v8, v7;
	_ =	sdelay $0x1  }
0xca: {  	v8 =	vmul.f32 v7, v7;
	[tilespmem:v9+s19+$0x0] =	vst.idx.msk $0xffff, v7  }
0xcb: {  	s8 =	sadd.s32 $0xFFFFFFFB, s3;
	v9 =	vld.idx.msk [tilespmem:v6+s19+$0x0], $0xffff  }
0xcc: {  	v11 =	vmov s8;
	v10 =	vld.idx.msk [tilespmem:v6+s7+$0x0], $0xffff  }
0xcd: {  	v12 =	vshll.u32 v11, $0x3  }
0xce: {  	v11 =	vand.u32 $0x7A, v11;
	v12 =	vand.u32 $0x1C00, v12  }
0xcf: {  	v11 =	vor.u32 v11, v12  }
0xd0: {  	v11 =	vadd.s32 v3, v11;
	_ =	sdelay $0x1  }
0xd1: {  	v9 =	vadd.f32 v10, v9;
	_ =	sdelay $0x1  }
0xd2: {  	[tilespmem:v6+s19+$0x0] =	vst.idx.msk $0xffff, v9;
	v6 =	vmul.f32 v9, v9  }
0xd3: {  	s8 =	sadd.s32 $0xFFFFFFFC, s3;
	v10 =	vld.idx.msk [tilespmem:v11+s19+$0x0], $0xffff  }
0xd4: {  	v13 =	vmov s8;
	v12 =	vld.idx.msk [tilespmem:v11+s7+$0x0], $0xffff  }
0xd5: {  	v14 =	vshll.u32 v13, $0x3  }
0xd6: {  	v13 =	vand.u32 $0x7B, v13;
	v14 =	vand.u32 $0x1C00, v14  }
0xd7: {  	v13 =	vor.u32 v13, v14  }
0xd8: {  	v13 =	vadd.s32 v3, v13;
	_ =	sdelay $0x1  }
0xd9: {  	v10 =	vadd.f32 v12, v10;
	_ =	sdelay $0x1  }
0xda: {  	[tilespmem:v11+s19+$0x0] =	vst.idx.msk $0xffff, v10;
	v11 =	vmul.f32 v10, v10  }
0xdb: {  	s8 =	sadd.s32 $0xFFFFFFFD, s3;
	v12 =	vld.idx.msk [tilespmem:v13+s19+$0x0], $0xffff  }
0xdc: {  	v15 =	vmov s8;
	v14 =	vld.idx.msk [tilespmem:v13+s7+$0x0], $0xffff  }
0xdd: {  	v16 =	vshll.u32 v15, $0x3  }
0xde: {  	v15 =	vand.u32 $0x7C, v15;
	v16 =	vand.u32 $0x1C00, v16  }
0xdf: {  	v15 =	vor.u32 v15, v16  }
0xe0: {  	v15 =	vadd.s32 v3, v15;
	_ =	sdelay $0x1  }
0xe1: {  	v12 =	vadd.f32 v14, v12;
	_ =	sdelay $0x1  }
0xe2: {  	[tilespmem:v13+s19+$0x0] =	vst.idx.msk $0xffff, v12;
	v13 =	vmul.f32 v12, v12  }
0xe3: {  	s8 =	sadd.s32 $0xFFFFFFFE, s3;
	v14 =	vld.idx.msk [tilespmem:v15+s19+$0x0], $0xffff  }
0xe4: {  	v17 =	vmov s8;
	v16 =	vld.idx.msk [tilespmem:v15+s7+$0x0], $0xffff  }
0xe5: {  	v18 =	vshll.u32 v17, $0x3  }
0xe6: {  	v17 =	vand.u32 $0x7D, v17;
	v18 =	vand.u32 $0x1C00, v18  }
0xe7: {  	v17 =	vor.u32 v17, v18  }
0xe8: {  	v17 =	vadd.s32 v3, v17;
	_ =	sdelay $0x1  }
0xe9: {  	v14 =	vadd.f32 v16, v14;
	_ =	sdelay $0x1  }
0xea: {  	[tilespmem:v15+s19+$0x0] =	vst.idx.msk $0xffff, v14;
	v15 =	vmul.f32 v14, v14  }
0xeb: {  	s8 =	sadd.s32 $0xFFFFFFFF, s3;
	v16 =	vld.idx.msk [tilespmem:v17+s19+$0x0], $0xffff  }
0xec: {  	v19 =	vmov s8;
	v18 =	vld.idx.msk [tilespmem:v17+s7+$0x0], $0xffff  }
0xed: {  	v20 =	vshll.u32 v19, $0x3  }
0xee: {  	v19 =	vand.u32 $0x7E, v19;
	v20 =	vand.u32 $0x1C00, v20  }
0xef: {  	v19 =	vor.u32 v19, v20  }
0xf0: {  	v19 =	vadd.s32 v3, v19;
	_ =	sdelay $0x1  }
0xf1: {  	v16 =	vadd.f32 v18, v16  }
0xf2: {  	v4 =	vadd.f32 v7, v4  }
0xf3: {  	v5 =	vadd.f32 v8, v5;
	v7 =	vmul.f32 v16, v16;
	[tilespmem:v17+s19+$0x0] =	vst.idx.msk $0xffff, v16  }
0xf4: {  	v4 =	vadd.f32 v9, v4;
	v8 =	vld.idx.msk [tilespmem:v19+s19+$0x0], $0xffff  }
0xf5: {  	v5 =	vadd.f32 v6, v5;
	v6 =	vmov s3;
	s3 =	smov.u32 s5;
	v9 =	vld.idx.msk [tilespmem:v19+s7+$0x0], $0xffff  }
0xf6: {  	v4 =	vadd.f32 v10, v4;
	v10 =	vshll.u32 v6, $0x3  }
0xf7: {  	v6 =	vand.u32 $0x7F, v6;
	v10 =	vand.u32 $0x1C00, v10;
	v5 =	vadd.f32 v11, v5  }
0xf8: {  	v6 =	vor.u32 v6, v10;
	v4 =	vadd.f32 v12, v4  }
0xf9: {  	v6 =	vadd.s32 v3, v6;
	v5 =	vadd.f32 v13, v5  }
0xfa: {  	v4 =	vadd.f32 v14, v4  }
0xfb: {  	v5 =	vadd.f32 v15, v5;
	v8 =	vadd.f32 v9, v8  }
.Ltmp1:
0xfc: {  	v4 =	vadd.f32 v16, v4;
	(pc) =	sbr.rel @p0 .LBB2_6-.Ltmp1, $4  }
0xfd: {  	v5 =	vadd.f32 v7, v5;
	v9 =	vmul.f32 v8, v8;
	[tilespmem:v19+s19+$0x0] =	vst.idx.msk $0xffff, v8  }
0xfe: {  	s5 =	sadd.s32 $0xFFFFFFF9, s3;
	v7 =	vld.idx.msk [tilespmem:v6+s19+$0x0], $0xffff  }
0xff: {  	v10 =	vmov s5;
	v4 =	vadd.f32 v8, v4;
	v5 =	vadd.f32 v9, v5;
	v8 =	vld.idx.msk [tilespmem:v6+s7+$0x0], $0xffff  }
0x100: {  	v9 =	vand.u32 $0x78, v10;
	v10 =	vshll.u32 v10, $0x3  }
0x101: {  	v10 =	vand.u32 $0x1C00, v10  }
0x102: {  	v9 =	vor.u32 v9, v10  }
0x103: {  	v9 =	vadd.s32 v3, v9;
	_ =	sdelay $0x1  }
0x104: {  	v7 =	vadd.f32 v8, v7;
	_ =	sdelay $0x1  }
0x105: {  	s4 =	sadd.s32 $0xFFFFFFFA, s3;
	[tilespmem:v6+s19+$0x0] =	vst.idx.msk $0xffff, v7  }
0x106: {  	v8 =	vmov s4;
	v6 =	vld.idx.msk [tilespmem:v9+s19+$0x0], $0xffff  }
0x107: {  	v11 =	vshll.u32 v8, $0x3;
	v10 =	vld.idx.msk [tilespmem:v9+s7+$0x0], $0xffff  }
0x108: {  	v8 =	vand.u32 $0x79, v8;
	v11 =	vand.u32 $0x1C00, v11  }
0x109: {  	v8 =	vor.u32 v8, v11  }
0x10a: {  	v8 =	vadd.s32 v3, v8;
	_ =	sdelay $0x1  }
0x10b: {  	v6 =	vadd.f32 v10, v6;
	_ =	sdelay $0x1  }
0x10c: {  	s8 =	sadd.s32 $0xFFFFFFFB, s3;
	[tilespmem:v9+s19+$0x0] =	vst.idx.msk $0xffff, v6  }
0x10d: {  	v10 =	vmov s8;
	v9 =	vld.idx.msk [tilespmem:v8+s19+$0x0], $0xffff  }
0x10e: {  	v12 =	vshll.u32 v10, $0x3;
	v11 =	vld.idx.msk [tilespmem:v8+s7+$0x0], $0xffff  }
0x10f: {  	v10 =	vand.u32 $0x7A, v10;
	v12 =	vand.u32 $0x1C00, v12  }
0x110: {  	v10 =	vor.u32 v10, v12  }
0x111: {  	v10 =	vadd.s32 v3, v10;
	_ =	sdelay $0x1  }
0x112: {  	v9 =	vadd.f32 v11, v9;
	_ =	sdelay $0x1  }
0x113: {  	s14 =	sadd.s32 $0xFFFFFFFC, s3;
	[tilespmem:v8+s19+$0x0] =	vst.idx.msk $0xffff, v9  }
0x114: {  	v11 =	vmov s14;
	v8 =	vld.idx.msk [tilespmem:v10+s19+$0x0], $0xffff  }
0x115: {  	v13 =	vshll.u32 v11, $0x3;
	v35 =	vld.idx.msk [tilespmem:v10+s7+$0x0], $0xffff  }
0x116: {  	v11 =	vand.u32 $0x7B, v11;
	v13 =	vand.u32 $0x1C00, v13  }
0x117: {  	v11 =	vor.u32 v11, v13  }
0x118: {  	v11 =	vadd.s32 v3, v11;
	_ =	sdelay $0x1  }
0x119: {  	v8 =	vadd.f32 v35, v8;
	_ =	sdelay $0x1  }
0x11a: {  	s16 =	sadd.s32 $0xFFFFFFFD, s3;
	[tilespmem:v10+s19+$0x0] =	vst.idx.msk $0xffff, v8  }
0x11b: {  	v36 =	vmov s16;
	v10 =	vld.idx.msk [tilespmem:v11+s19+$0x0], $0xffff  }
0x11c: {  	v14 =	vshll.u32 v36, $0x3;
	v37 =	vld.idx.msk [tilespmem:v11+s7+$0x0], $0xffff  }
0x11d: {  	v14 =	vand.u32 $0x1C00, v14;
	v12 =	vand.u32 $0x7C, v36  }
0x11e: {  	v12 =	vor.u32 v12, v14  }
0x11f: {  	v12 =	vadd.s32 v3, v12;
	_ =	sdelay $0x1  }
0x120: {  	v10 =	vadd.f32 v37, v10;
	_ =	sdelay $0x1  }
0x121: {  	s5 =	sadd.s32 $0xFFFFFFFE, s3;
	[tilespmem:v11+s19+$0x0] =	vst.idx.msk $0xffff, v10  }
0x122: {  	v38 =	vmov s5;
	v11 =	vld.idx.msk [tilespmem:v12+s19+$0x0], $0xffff  }
0x123: {  	v15 =	vshll.u32 v38, $0x3;
	v39 =	vld.idx.msk [tilespmem:v12+s7+$0x0], $0xffff  }
0x124: {  	v15 =	vand.u32 $0x1C00, v15;
	v13 =	vand.u32 $0x7D, v38  }
0x125: {  	v13 =	vor.u32 v13, v15  }
0x126: {  	v13 =	vadd.s32 v3, v13;
	_ =	sdelay $0x1  }
0x127: {  	v11 =	vadd.f32 v39, v11;
	_ =	sdelay $0x1  }
0x128: {  	s8 =	sadd.s32 $0xFFFFFFFF, s3;
	[tilespmem:v12+s19+$0x0] =	vst.idx.msk $0xffff, v11  }
0x129: {  	v40 =	vmov s8;
	v12 =	vld.idx.msk [tilespmem:v13+s19+$0x0], $0xffff  }
0x12a: {  	v16 =	vshll.u32 v40, $0x3;
	v41 =	vld.idx.msk [tilespmem:v13+s7+$0x0], $0xffff  }
0x12b: {  	v16 =	vand.u32 $0x1C00, v16;
	v14 =	vand.u32 $0x7E, v40  }
0x12c: {  	v14 =	vor.u32 v14, v16  }
0x12d: {  	v14 =	vadd.s32 v3, v14;
	_ =	sdelay $0x1  }
0x12e: {  	v12 =	vadd.f32 v41, v12;
	_ =	sdelay $0x1  }
0x12f: {  	v42 =	vmul.f32 v7, v7;
	[tilespmem:v13+s19+$0x0] =	vst.idx.msk $0xffff, v12  }
0x130: {  	v43 =	vmov s3;
	v13 =	vld.idx.msk [tilespmem:v14+s19+$0x0], $0xffff  }
0x131: {  	v44 =	vshll.u32 v43, $0x3;
	v4 =	vadd.f32 v7, v4;
	v5 =	vadd.f32 v42, v5;
	v7 =	vld.idx.msk [tilespmem:v14+s7+$0x0], $0xffff  }
0x132: {  	v17 =	vmul.f32 v6, v6;
	v16 =	vand.u32 $0x7F, v43;
	v15 =	vand.u32 $0x1C00, v44  }
0x133: {  	v4 =	vadd.f32 v6, v4;
	v6 =	vor.u32 v16, v15  }
0x134: {  	v5 =	vadd.f32 v17, v5;
	v45 =	vmul.f32 v9, v9;
	v6 =	vadd.s32 v3, v6  }
0x135: {  	v4 =	vadd.f32 v9, v4  }
0x136: {  	v5 =	vadd.f32 v45, v5;
	v9 =	vmul.f32 v8, v8;
	v7 =	vadd.f32 v7, v13  }
0x137: {  	v4 =	vadd.f32 v8, v4  }
0x138: {  	v5 =	vadd.f32 v9, v5;
	v8 =	vmul.f32 v10, v10;
	[tilespmem:v14+s19+$0x0] =	vst.idx.msk $0xffff, v7  }
0x139: {  	v4 =	vadd.f32 v10, v4;
	v9 =	vld.idx.msk [tilespmem:v6+s19+$0x0], $0xffff  }
0x13a: {  	v5 =	vadd.f32 v8, v5;
	v10 =	vmul.f32 v11, v11;
	v8 =	vld.idx.msk [tilespmem:v6+s7+$0x0], $0xffff  }
0x13b: {  	v4 =	vadd.f32 v11, v4  }
0x13c: {  	v5 =	vadd.f32 v10, v5;
	v11 =	vmul.f32 v12, v12  }
0x13d: {  	v4 =	vadd.f32 v12, v4  }
0x13e: {  	v5 =	vadd.f32 v11, v5  }
0x13f: {  	v10 =	vmul.f32 v7, v7;
	v4 =	vadd.f32 v7, v4;
	v7 =	vadd.f32 v8, v9;
	_ =	sdelay $0x1  }
0x140: {  	v5 =	vadd.f32 v10, v5;
	v4 =	vadd.f32 v7, v4;
	v8 =	vmul.f32 v7, v7;
	_ =	sdelay $0x1  }
0x141: {  	v5 =	vadd.f32 v8, v5;
	v4 =	vmul.f32 $1.302083370e-03, v4;
	_ =	sdelay $0x1  }
0x142: {  	v5 =	vmul.f32 $1.302083370e-03, v5;
	v8 =	vmul.f32 v4, v4;
	_ =	sdelay $0x1  }
0x143: {  	v5 =	vsub.f32 v5, v8;
	_ =	sdelay $0x1  }
0x144: {  	v5 =	vadd.f32 $9.999999960e-13, v5;
	_ =	sdelay $0x1  }
0x145: {  	v8 =	vshrl.u32 v5, $0x1;
	v5 =	vmul.f32 $5.000000000e-01, v5  }
0x146: {  	v8 =	vsub.s32 $0x5F3759DF, v8  }
0x147: {  	v9 =	vmul.f32 v8, v5;
	_ =	sdelay $0x1  }
0x148: {  	v9 =	vmul.f32 v8, v9;
	_ =	sdelay $0x1  }
0x149: {  	v9 =	vsub.f32 $1.500000000e+00, v9;
	_ =	sdelay $0x1  }
0x14a: {  	v8 =	vmul.f32 v8, v9;
	_ =	sdelay $0x1  }
0x14b: {  	v9 =	vmul.f32 v8, v5;
	_ =	sdelay $0x1  }
0x14c: {  	v9 =	vmul.f32 v9, v8;
	_ =	sdelay $0x1  }
0x14d: {  	v9 =	vsub.f32 $1.500000000e+00, v9;
	_ =	sdelay $0x1  }
0x14e: {  	v8 =	vmul.f32 v9, v8;
	_ =	sdelay $0x1  }
0x14f: {  	v9 =	vmul.f32 v8, v5  }
0x150: {  	s14 =	simm.s32 $0x0  }
0x151: {  	v10 =	vmov s14;
	v9 =	vmul.f32 v9, v8  }
0x152: {  	v11 =	vshll.u32 v10, $0x3  }
0x153: {  	v10 =	vand.u32 $0x70, v10;
	v11 =	vand.u32 $0x1C00, v11;
	v9 =	vsub.f32 $1.500000000e+00, v9  }
0x154: {  	v10 =	vor.u32 v10, v11  }
0x155: {  	v8 =	vmul.f32 v9, v8;
	v9 =	vadd.s32 v3, v10;
	_ =	sdelay $0x1  }
0x156: {  	s4 =	simm.s32 $0x6380;
	[tilespmem:v6+s19+$0x0] =	vst.idx.msk $0xffff, v7;
	v5 =	vmul.f32 v8, v5  }
0x157: {  	v7 =	vld [tilespmem:s4+$0x0]  }
0x158: {  	v5 =	vmul.f32 v5, v8  }
0x159: {  	v10 =	vld.idx.msk [tilespmem:v9+s19+$0x0], $0xffff  }
0x15a: {  	s8 =	simm.s32 $0x6680;
	v5 =	vsub.f32 $1.500000000e+00, v5  }
0x15b: {  	s16 =	simm.s32 $0x1;
	v6 =	vld [tilespmem:s8+$0x0]  }
0x15c: {  	v11 =	vbroadcast v7, $0x0;
	v5 =	vmul.f32 v5, v8;
	v8 =	vmov s16  }
0x15d: {  	v46 =	vshll.u32 v8, $0x3;
	v8 =	vand.u32 $0x71, v8  }
0x15e: {  	v10 =	vsub.f32 v10, v4;
	v11 =	vmul.f32 v11, v5;
	v12 =	vand.u32 $0x1C00, v46  }
0x15f: {  	v8 =	vor.u32 v8, v12  }
0x160: {  	v10 =	vmul.f32 v10, v11;
	v11 =	vbroadcast v6, $0x0;
	v8 =	vadd.s32 v3, v8;
	_ =	sdelay $0x1  }
0x161: {  	v10 =	vadd.f32 v10, v11;
	_ =	sdelay $0x1  }
0x162: {  	[tilespmem:v9+s19+$0x0] =	vst.idx.msk $0xffff, v10  }
0x163: {  	v9 =	vld.idx.msk [tilespmem:v8+s19+$0x0], $0xffff;
	_ =	sdelay $0x1  }
0x164: {  	s5 =	simm.s32 $0x2  }
0x165: {  	v11 =	vmov s5;
	v10 =	vbroadcast v7, $0x1  }
0x166: {  	v47 =	vshll.u32 v11, $0x3;
	v11 =	vand.u32 $0x72, v11  }
0x167: {  	v12 =	vand.u32 $0x1C00, v47;
	v10 =	vmul.f32 v10, v5;
	v9 =	vsub.f32 v9, v4  }
0x168: {  	v11 =	vor.u32 v11, v12  }
0x169: {  	v11 =	vadd.s32 v3, v11;
	v9 =	vmul.f32 v9, v10;
	v10 =	vbroadcast v6, $0x1;
	_ =	sdelay $0x1  }
0x16a: {  	v9 =	vadd.f32 v9, v10;
	_ =	sdelay $0x1  }
0x16b: {  	[tilespmem:v8+s19+$0x0] =	vst.idx.msk $0xffff, v9  }
0x16c: {  	v8 =	vld.idx.msk [tilespmem:v11+s19+$0x0], $0xffff;
	_ =	sdelay $0x1  }
0x16d: {  	s14 =	simm.s32 $0x3  }
0x16e: {  	v10 =	vmov s14;
	v9 =	vbroadcast v7, $0x2  }
0x16f: {  	v48 =	vshll.u32 v10, $0x3;
	v10 =	vand.u32 $0x73, v10  }
0x170: {  	v12 =	vand.u32 $0x1C00, v48;
	v9 =	vmul.f32 v9, v5;
	v8 =	vsub.f32 v8, v4  }
0x171: {  	v10 =	vor.u32 v10, v12  }
0x172: {  	v10 =	vadd.s32 v3, v10;
	v8 =	vmul.f32 v8, v9;
	v9 =	vbroadcast v6, $0x2;
	_ =	sdelay $0x1  }
0x173: {  	v8 =	vadd.f32 v8, v9;
	_ =	sdelay $0x1  }
0x174: {  	[tilespmem:v11+s19+$0x0] =	vst.idx.msk $0xffff, v8  }
0x175: {  	v8 =	vld.idx.msk [tilespmem:v10+s19+$0x0], $0xffff;
	_ =	sdelay $0x1  }
0x176: {  	s16 =	simm.s32 $0x4;
	v9 =	vbroadcast v7, $0x3  }
0x177: {  	v11 =	vmov s16  }
0x178: {  	v9 =	vmul.f32 v9, v5;
	v49 =	vshll.u32 v11, $0x3  }
0x179: {  	v11 =	vand.u32 $0x74, v11;
	v12 =	vand.u32 $0x1C00, v49;
	v8 =	vsub.f32 v8, v4  }
0x17a: {  	v11 =	vor.u32 v11, v12  }
0x17b: {  	v11 =	vadd.s32 v3, v11;
	v8 =	vmul.f32 v8, v9;
	v9 =	vbroadcast v6, $0x3;
	_ =	sdelay $0x1  }
0x17c: {  	v8 =	vadd.f32 v8, v9;
	_ =	sdelay $0x1  }
0x17d: {  	[tilespmem:v10+s19+$0x0] =	vst.idx.msk $0xffff, v8  }
0x17e: {  	v8 =	vld.idx.msk [tilespmem:v11+s19+$0x0], $0xffff;
	_ =	sdelay $0x1  }
0x17f: {  	s5 =	simm.s32 $0x5;
	v9 =	vbroadcast v7, $0x4  }
0x180: {  	v10 =	vmov s5  }
0x181: {  	v9 =	vmul.f32 v9, v5;
	v50 =	vshll.u32 v10, $0x3  }
0x182: {  	v10 =	vand.u32 $0x75, v10;
	v12 =	vand.u32 $0x1C00, v50;
	v8 =	vsub.f32 v8, v4  }
0x183: {  	v10 =	vor.u32 v10, v12  }
0x184: {  	v10 =	vadd.s32 v3, v10;
	v8 =	vmul.f32 v8, v9;
	v9 =	vbroadcast v6, $0x4;
	_ =	sdelay $0x1  }
0x185: {  	v8 =	vadd.f32 v8, v9;
	_ =	sdelay $0x1  }
0x186: {  	[tilespmem:v11+s19+$0x0] =	vst.idx.msk $0xffff, v8  }
0x187: {  	v8 =	vld.idx.msk [tilespmem:v10+s19+$0x0], $0xffff;
	_ =	sdelay $0x1  }
0x188: {  	s14 =	simm.s32 $0x6;
	v9 =	vbroadcast v7, $0x5  }
0x189: {  	v11 =	vmov s14  }
0x18a: {  	v9 =	vmul.f32 v9, v5;
	v51 =	vshll.u32 v11, $0x3  }
0x18b: {  	v11 =	vand.u32 $0x76, v11;
	v12 =	vand.u32 $0x1C00, v51;
	v8 =	vsub.f32 v8, v4  }
0x18c: {  	v11 =	vor.u32 v11, v12  }
0x18d: {  	v11 =	vadd.s32 v3, v11;
	v8 =	vmul.f32 v8, v9;
	v9 =	vbroadcast v6, $0x5;
	_ =	sdelay $0x1  }
0x18e: {  	v8 =	vadd.f32 v8, v9;
	_ =	sdelay $0x1  }
0x18f: {  	[tilespmem:v10+s19+$0x0] =	vst.idx.msk $0xffff, v8  }
0x190: {  	v8 =	vld.idx.msk [tilespmem:v11+s19+$0x0], $0xffff;
	_ =	sdelay $0x1  }
0x191: {  	s16 =	simm.s32 $0x7;
	v9 =	vbroadcast v7, $0x6  }
0x192: {  	v10 =	vmov s16  }
0x193: {  	v9 =	vmul.f32 v9, v5;
	v52 =	vshll.u32 v10, $0x3  }
0x194: {  	v10 =	vand.u32 $0x77, v10;
	v12 =	vand.u32 $0x1C00, v52;
	v8 =	vsub.f32 v8, v4  }
0x195: {  	v10 =	vor.u32 v10, v12  }
0x196: {  	v10 =	vadd.s32 v3, v10;
	v8 =	vmul.f32 v8, v9;
	v9 =	vbroadcast v6, $0x6;
	_ =	sdelay $0x1  }
0x197: {  	v8 =	vadd.f32 v8, v9;
	_ =	sdelay $0x1  }
0x198: {  	[tilespmem:v11+s19+$0x0] =	vst.idx.msk $0xffff, v8  }
0x199: {  	v8 =	vld.idx.msk [tilespmem:v10+s19+$0x0], $0xffff;
	_ =	sdelay $0x1  }
0x19a: {  	s5 =	simm.s32 $0x8;
	v9 =	vbroadcast v7, $0x7  }
0x19b: {  	v11 =	vmov s5  }
0x19c: {  	v9 =	vmul.f32 v9, v5;
	v53 =	vshll.u32 v11, $0x3  }
0x19d: {  	v11 =	vand.u32 $0x78, v11;
	v12 =	vand.u32 $0x1C00, v53;
	v8 =	vsub.f32 v8, v4  }
0x19e: {  	v11 =	vor.u32 v11, v12  }
0x19f: {  	v11 =	vadd.s32 v3, v11;
	v8 =	vmul.f32 v8, v9;
	v9 =	vbroadcast v6, $0x7;
	_ =	sdelay $0x1  }
0x1a0: {  	v8 =	vadd.f32 v8, v9;
	_ =	sdelay $0x1  }
0x1a1: {  	[tilespmem:v10+s19+$0x0] =	vst.idx.msk $0xffff, v8  }
0x1a2: {  	v8 =	vld.idx.msk [tilespmem:v11+s19+$0x0], $0xffff;
	_ =	sdelay $0x1  }
0x1a3: {  	s14 =	simm.s32 $0x9;
	v9 =	vbroadcast v7, $0x8  }
0x1a4: {  	v10 =	vmov s14  }
0x1a5: {  	v9 =	vmul.f32 v9, v5;
	v54 =	vshll.u32 v10, $0x3  }
0x1a6: {  	v10 =	vand.u32 $0x79, v10;
	v12 =	vand.u32 $0x1C00, v54;
	v8 =	vsub.f32 v8, v4  }
0x1a7: {  	v10 =	vor.u32 v10, v12  }
0x1a8: {  	v55 =	vbroadcast v6, $0x8;
	v10 =	vadd.s32 v3, v10;
	v8 =	vmul.f32 v8, v9;
	_ =	sdelay $0x1  }
0x1a9: {  	v8 =	vadd.f32 v8, v55;
	_ =	sdelay $0x1  }
0x1aa: {  	[tilespmem:v11+s19+$0x0] =	vst.idx.msk $0xffff, v8  }
0x1ab: {  	v8 =	vld.idx.msk [tilespmem:v10+s19+$0x0], $0xffff;
	_ =	sdelay $0x1  }
0x1ac: {  	s16 =	simm.s32 $0xA;
	v9 =	vbroadcast v7, $0x9  }
0x1ad: {  	v11 =	vmov s16  }
0x1ae: {  	v9 =	vmul.f32 v9, v5;
	v56 =	vshll.u32 v11, $0x3  }
0x1af: {  	v11 =	vand.u32 $0x7A, v11;
	v12 =	vand.u32 $0x1C00, v56;
	v8 =	vsub.f32 v8, v4  }
0x1b0: {  	v11 =	vor.u32 v11, v12  }
0x1b1: {  	v11 =	vadd.s32 v3, v11;
	v8 =	vmul.f32 v8, v9;
	v9 =	vbroadcast v6, $0x9;
	_ =	sdelay $0x1  }
0x1b2: {  	v8 =	vadd.f32 v8, v9;
	_ =	sdelay $0x1  }
0x1b3: {  	[tilespmem:v10+s19+$0x0] =	vst.idx.msk $0xffff, v8  }
0x1b4: {  	v8 =	vld.idx.msk [tilespmem:v11+s19+$0x0], $0xffff;
	_ =	sdelay $0x1  }
0x1b5: {  	s5 =	simm.s32 $0xB;
	v9 =	vbroadcast v7, $0xA  }
0x1b6: {  	v10 =	vmov s5  }
0x1b7: {  	v9 =	vmul.f32 v9, v5;
	v57 =	vshll.u32 v10, $0x3  }
0x1b8: {  	v10 =	vand.u32 $0x7B, v10;
	v12 =	vand.u32 $0x1C00, v57;
	v8 =	vsub.f32 v8, v4  }
0x1b9: {  	v10 =	vor.u32 v10, v12  }
0x1ba: {  	v10 =	vadd.s32 v3, v10;
	v8 =	vmul.f32 v8, v9;
	v9 =	vbroadcast v6, $0xA;
	_ =	sdelay $0x1  }
0x1bb: {  	v8 =	vadd.f32 v8, v9;
	_ =	sdelay $0x1  }
0x1bc: {  	[tilespmem:v11+s19+$0x0] =	vst.idx.msk $0xffff, v8  }
0x1bd: {  	v8 =	vld.idx.msk [tilespmem:v10+s19+$0x0], $0xffff;
	_ =	sdelay $0x1  }
0x1be: {  	s14 =	simm.s32 $0xC;
	v9 =	vbroadcast v7, $0xB  }
0x1bf: {  	v11 =	vmov s14  }
0x1c0: {  	v9 =	vmul.f32 v9, v5;
	v58 =	vshll.u32 v11, $0x3  }
0x1c1: {  	v11 =	vand.u32 $0x7C, v11;
	v12 =	vand.u32 $0x1C00, v58;
	v8 =	vsub.f32 v8, v4  }
0x1c2: {  	v11 =	vor.u32 v11, v12  }
0x1c3: {  	v11 =	vadd.s32 v3, v11;
	v8 =	vmul.f32 v8, v9;
	v9 =	vbroadcast v6, $0xB;
	_ =	sdelay $0x1  }
0x1c4: {  	v8 =	vadd.f32 v8, v9;
	_ =	sdelay $0x1  }
0x1c5: {  	[tilespmem:v10+s19+$0x0] =	vst.idx.msk $0xffff, v8  }
0x1c6: {  	v8 =	vld.idx.msk [tilespmem:v11+s19+$0x0], $0xffff;
	_ =	sdelay $0x1  }
0x1c7: {  	s16 =	simm.s32 $0xD;
	v9 =	vbroadcast v7, $0xC  }
0x1c8: {  	v10 =	vmov s16  }
0x1c9: {  	v9 =	vmul.f32 v9, v5;
	v59 =	vshll.u32 v10, $0x3  }
0x1ca: {  	v10 =	vand.u32 $0x7D, v10;
	v12 =	vand.u32 $0x1C00, v59;
	v8 =	vsub.f32 v8, v4  }
0x1cb: {  	v10 =	vor.u32 v10, v12  }
0x1cc: {  	v60 =	vbroadcast v6, $0xC;
	v10 =	vadd.s32 v3, v10;
	v8 =	vmul.f32 v8, v9;
	_ =	sdelay $0x1  }
0x1cd: {  	v8 =	vadd.f32 v8, v60;
	_ =	sdelay $0x1  }
0x1ce: {  	[tilespmem:v11+s19+$0x0] =	vst.idx.msk $0xffff, v8  }
0x1cf: {  	v8 =	vld.idx.msk [tilespmem:v10+s19+$0x0], $0xffff;
	_ =	sdelay $0x1  }
0x1d0: {  	s5 =	simm.s32 $0xE;
	v9 =	vbroadcast v7, $0xD  }
0x1d1: {  	v11 =	vmov s5  }
0x1d2: {  	v9 =	vmul.f32 v9, v5;
	v61 =	vshll.u32 v11, $0x3  }
0x1d3: {  	v11 =	vand.u32 $0x7E, v11;
	v12 =	vand.u32 $0x1C00, v61;
	v8 =	vsub.f32 v8, v4  }
0x1d4: {  	v11 =	vor.u32 v11, v12  }
0x1d5: {  	v11 =	vadd.s32 v3, v11;
	v8 =	vmul.f32 v8, v9;
	v9 =	vbroadcast v6, $0xD;
	_ =	sdelay $0x1  }
0x1d6: {  	v8 =	vadd.f32 v8, v9;
	_ =	sdelay $0x1  }
0x1d7: {  	[tilespmem:v10+s19+$0x0] =	vst.idx.msk $0xffff, v8  }
0x1d8: {  	v8 =	vld.idx.msk [tilespmem:v11+s19+$0x0], $0xffff;
	_ =	sdelay $0x1  }
0x1d9: {  	s14 =	simm.s32 $0xF;
	v9 =	vbroadcast v7, $0xE  }
0x1da: {  	v10 =	vmov s14  }
0x1db: {  	v9 =	vmul.f32 v9, v5;
	v62 =	vshll.u32 v10, $0x3  }
0x1dc: {  	v10 =	vand.u32 $0x7F, v10;
	v12 =	vand.u32 $0x1C00, v62;
	v63 =	vsub.f32 v8, v4  }
0x1dd: {  	v8 =	vor.u32 v10, v12  }
0x1de: {  	v10 =	vbroadcast v6, $0xE;
	v8 =	vadd.s32 v3, v8;
	v9 =	vmul.f32 v63, v9;
	_ =	sdelay $0x1  }
0x1df: {  	v9 =	vadd.f32 v9, v10;
	_ =	sdelay $0x1  }
0x1e0: {  	[tilespmem:v11+s19+$0x0] =	vst.idx.msk $0xffff, v9  }
0x1e1: {  	v9 =	vld.idx.msk [tilespmem:v8+s19+$0x0], $0xffff;
	_ =	sdelay $0x2  }
0x1e2: {  	v7 =	vbroadcast v7, $0xF  }
0x1e3: {  	s16 =	simm.s32 $0x10  }
0x1e4: {  	v7 =	vmul.f32 v7, v5;
	v10 =	vmov s16;
	v9 =	vsub.f32 v9, v4  }
0x1e5: {  	v6 =	vbroadcast v6, $0xF;
	v11 =	vshll.u32 v10, $0x3  }
0x1e6: {  	v10 =	vand.u32 $0x70, v10;
	v11 =	vand.u32 $0x1C00, v11;
	v7 =	vmul.f32 v9, v7  }
0x1e7: {  	v9 =	vor.u32 v10, v11  }
0x1e8: {  	s3 =	simm.s32 $0x1F;
	s5 =	simm.s32 $0x2F;
	v9 =	vadd.s32 v3, v9;
	v6 =	vadd.f32 v7, v6  }
.LBB2_8:
0x1e9: {  	s4 =	sadd.s32 $0x10, s4  }
0x1ea: {  	s8 =	sadd.s32 $0x10, s8;
	s14 =	smov.u32 s5;
	s16 =	sadd.s32 $0x10, s5  }
0x1eb: {  	p0 =	sne.s32 s5, $0x2FF;
	[tilespmem:v8+s19+$0x0] =	vst.idx.msk $0xffff, v6  }
0x1ec: {  	v7 =	vld [tilespmem:s4+$0x0]  }
0x1ed: {  	v10 =	vld.idx.msk [tilespmem:v9+s19+$0x0], $0xffff;
	_ =	sdelay $0x1  }
0x1ee: {  	s5 =	sadd.s32 $0xFFFFFFF2, s3  }
0x1ef: {  	v8 =	vmov s5;
	v6 =	vld [tilespmem:s8+$0x0]  }
0x1f0: {  	v12 =	vshll.u32 v8, $0x3;
	v11 =	vbroadcast v7, $0x0;
	v13 =	vbroadcast v7, $0x2  }
0x1f1: {  	v14 =	vand.u32 $0x71, v8;
	v8 =	vbroadcast v7, $0x6  }
0x1f2: {  	v12 =	vand.u32 $0x1C00, v12;
	v10 =	vsub.f32 v10, v4;
	v11 =	vmul.f32 v11, v5  }
0x1f3: {  	v12 =	vor.u32 v14, v12  }
0x1f4: {  	v12 =	vadd.s32 v3, v12;
	v10 =	vmul.f32 v10, v11;
	v11 =	vbroadcast v6, $0x0;
	_ =	sdelay $0x1  }
0x1f5: {  	v10 =	vadd.f32 v10, v11;
	_ =	sdelay $0x1  }
0x1f6: {  	[tilespmem:v9+s19+$0x0] =	vst.idx.msk $0xffff, v10  }
0x1f7: {  	v9 =	vld.idx.msk [tilespmem:v12+s19+$0x0], $0xffff;
	_ =	sdelay $0x1  }
0x1f8: {  	s5 =	sadd.s32 $0xFFFFFFF3, s3  }
0x1f9: {  	v11 =	vmov s5;
	v10 =	vbroadcast v7, $0x1  }
0x1fa: {  	v14 =	vshll.u32 v11, $0x3  }
0x1fb: {  	v11 =	vand.u32 $0x72, v11;
	v14 =	vand.u32 $0x1C00, v14;
	v10 =	vmul.f32 v10, v5  }
0x1fc: {  	v11 =	vor.u32 v11, v14;
	v9 =	vsub.f32 v9, v4  }
0x1fd: {  	v11 =	vadd.s32 v3, v11  }
0x1fe: {  	v9 =	vmul.f32 v9, v10;
	v10 =	vbroadcast v6, $0x1;
	_ =	sdelay $0x1  }
0x1ff: {  	v9 =	vadd.f32 v9, v10;
	_ =	sdelay $0x1  }
0x200: {  	[tilespmem:v12+s19+$0x0] =	vst.idx.msk $0xffff, v9  }
0x201: {  	v9 =	vld.idx.msk [tilespmem:v11+s19+$0x0], $0xffff;
	_ =	sdelay $0x1  }
0x202: {  	s5 =	sadd.s32 $0xFFFFFFF4, s3  }
0x203: {  	v10 =	vmov s5  }
0x204: {  	v12 =	vshll.u32 v10, $0x3  }
0x205: {  	v13 =	vmul.f32 v13, v5;
	v10 =	vand.u32 $0x73, v10;
	v12 =	vand.u32 $0x1C00, v12  }
0x206: {  	v10 =	vor.u32 v10, v12;
	v9 =	vsub.f32 v9, v4  }
0x207: {  	v10 =	vadd.s32 v3, v10  }
0x208: {  	v12 =	vbroadcast v6, $0x2;
	v9 =	vmul.f32 v9, v13;
	_ =	sdelay $0x1  }
0x209: {  	v9 =	vadd.f32 v9, v12;
	_ =	sdelay $0x1  }
0x20a: {  	[tilespmem:v11+s19+$0x0] =	vst.idx.msk $0xffff, v9  }
0x20b: {  	v9 =	vld.idx.msk [tilespmem:v10+s19+$0x0], $0xffff;
	_ =	sdelay $0x1  }
0x20c: {  	s5 =	sadd.s32 $0xFFFFFFF5, s3  }
0x20d: {  	v12 =	vmov s5;
	v11 =	vbroadcast v7, $0x3  }
0x20e: {  	v13 =	vshll.u32 v12, $0x3  }
0x20f: {  	v12 =	vand.u32 $0x74, v12;
	v13 =	vand.u32 $0x1C00, v13;
	v11 =	vmul.f32 v11, v5  }
0x210: {  	v12 =	vor.u32 v12, v13;
	v9 =	vsub.f32 v9, v4  }
0x211: {  	v12 =	vadd.s32 v3, v12  }
0x212: {  	v9 =	vmul.f32 v9, v11;
	v11 =	vbroadcast v6, $0x3;
	_ =	sdelay $0x1  }
0x213: {  	v9 =	vadd.f32 v9, v11;
	_ =	sdelay $0x1  }
0x214: {  	[tilespmem:v10+s19+$0x0] =	vst.idx.msk $0xffff, v9  }
0x215: {  	v9 =	vld.idx.msk [tilespmem:v12+s19+$0x0], $0xffff;
	_ =	sdelay $0x1  }
0x216: {  	s5 =	sadd.s32 $0xFFFFFFF6, s3  }
0x217: {  	v11 =	vmov s5;
	v10 =	vbroadcast v7, $0x4  }
0x218: {  	v13 =	vshll.u32 v11, $0x3  }
0x219: {  	v11 =	vand.u32 $0x75, v11;
	v13 =	vand.u32 $0x1C00, v13;
	v10 =	vmul.f32 v10, v5  }
0x21a: {  	v11 =	vor.u32 v11, v13;
	v9 =	vsub.f32 v9, v4  }
0x21b: {  	v11 =	vadd.s32 v3, v11  }
0x21c: {  	v9 =	vmul.f32 v9, v10;
	v10 =	vbroadcast v6, $0x4;
	_ =	sdelay $0x1  }
0x21d: {  	v9 =	vadd.f32 v9, v10;
	_ =	sdelay $0x1  }
0x21e: {  	[tilespmem:v12+s19+$0x0] =	vst.idx.msk $0xffff, v9  }
0x21f: {  	v9 =	vld.idx.msk [tilespmem:v11+s19+$0x0], $0xffff;
	_ =	sdelay $0x1  }
0x220: {  	s5 =	sadd.s32 $0xFFFFFFF7, s3  }
0x221: {  	v10 =	vbroadcast v7, $0x5;
	v12 =	vmov s5  }
0x222: {  	v13 =	vshll.u32 v12, $0x3  }
0x223: {  	v10 =	vmul.f32 v10, v5;
	v12 =	vand.u32 $0x76, v12;
	v13 =	vand.u32 $0x1C00, v13  }
0x224: {  	v12 =	vor.u32 v12, v13;
	v9 =	vsub.f32 v9, v4  }
0x225: {  	v12 =	vadd.s32 v3, v12  }
0x226: {  	v9 =	vmul.f32 v9, v10;
	v10 =	vbroadcast v6, $0x5;
	_ =	sdelay $0x1  }
0x227: {  	v9 =	vadd.f32 v9, v10;
	_ =	sdelay $0x1  }
0x228: {  	[tilespmem:v11+s19+$0x0] =	vst.idx.msk $0xffff, v9  }
0x229: {  	v9 =	vld.idx.msk [tilespmem:v12+s19+$0x0], $0xffff;
	_ =	sdelay $0x1  }
0x22a: {  	s5 =	sadd.s32 $0xFFFFFFF8, s3  }
0x22b: {  	v10 =	vmov s5  }
0x22c: {  	v11 =	vshll.u32 v10, $0x3  }
0x22d: {  	v8 =	vmul.f32 v8, v5;
	v10 =	vand.u32 $0x77, v10;
	v11 =	vand.u32 $0x1C00, v11  }
0x22e: {  	v10 =	vor.u32 v10, v11;
	v9 =	vsub.f32 v9, v4  }
0x22f: {  	v10 =	vadd.s32 v3, v10  }
0x230: {  	v8 =	vmul.f32 v9, v8;
	v9 =	vbroadcast v6, $0x6;
	_ =	sdelay $0x1  }
0x231: {  	v8 =	vadd.f32 v8, v9;
	_ =	sdelay $0x1  }
0x232: {  	[tilespmem:v12+s19+$0x0] =	vst.idx.msk $0xffff, v8  }
0x233: {  	v8 =	vld.idx.msk [tilespmem:v10+s19+$0x0], $0xffff;
	_ =	sdelay $0x1  }
0x234: {  	s5 =	sadd.s32 $0xFFFFFFF9, s3  }
0x235: {  	v11 =	vmov s5;
	v9 =	vbroadcast v7, $0x7  }
0x236: {  	v12 =	vshll.u32 v11, $0x3  }
0x237: {  	v9 =	vmul.f32 v9, v5;
	v11 =	vand.u32 $0x78, v11;
	v12 =	vand.u32 $0x1C00, v12  }
0x238: {  	v11 =	vor.u32 v11, v12;
	v8 =	vsub.f32 v8, v4  }
0x239: {  	v11 =	vadd.s32 v3, v11  }
0x23a: {  	v8 =	vmul.f32 v8, v9;
	v9 =	vbroadcast v6, $0x7;
	_ =	sdelay $0x1  }
0x23b: {  	v8 =	vadd.f32 v8, v9;
	_ =	sdelay $0x1  }
0x23c: {  	[tilespmem:v10+s19+$0x0] =	vst.idx.msk $0xffff, v8  }
0x23d: {  	v8 =	vld.idx.msk [tilespmem:v11+s19+$0x0], $0xffff;
	_ =	sdelay $0x1  }
0x23e: {  	s5 =	sadd.s32 $0xFFFFFFFA, s3  }
0x23f: {  	v9 =	vbroadcast v7, $0x8;
	v10 =	vmov s5  }
0x240: {  	v12 =	vshll.u32 v10, $0x3  }
0x241: {  	v9 =	vmul.f32 v9, v5;
	v10 =	vand.u32 $0x79, v10;
	v12 =	vand.u32 $0x1C00, v12  }
0x242: {  	v10 =	vor.u32 v10, v12;
	v8 =	vsub.f32 v8, v4  }
0x243: {  	v12 =	vbroadcast v6, $0x8;
	v10 =	vadd.s32 v3, v10  }
0x244: {  	v8 =	vmul.f32 v8, v9;
	_ =	sdelay $0x1  }
0x245: {  	v8 =	vadd.f32 v8, v12;
	_ =	sdelay $0x1  }
0x246: {  	[tilespmem:v11+s19+$0x0] =	vst.idx.msk $0xffff, v8  }
0x247: {  	v8 =	vld.idx.msk [tilespmem:v10+s19+$0x0], $0xffff;
	_ =	sdelay $0x1  }
0x248: {  	s5 =	sadd.s32 $0xFFFFFFFB, s3  }
0x249: {  	v9 =	vbroadcast v7, $0x9;
	v11 =	vmov s5  }
0x24a: {  	v12 =	vshll.u32 v11, $0x3  }
0x24b: {  	v9 =	vmul.f32 v9, v5;
	v11 =	vand.u32 $0x7A, v11;
	v12 =	vand.u32 $0x1C00, v12  }
0x24c: {  	v11 =	vor.u32 v11, v12;
	v8 =	vsub.f32 v8, v4  }
0x24d: {  	v11 =	vadd.s32 v3, v11  }
0x24e: {  	v8 =	vmul.f32 v8, v9;
	v9 =	vbroadcast v6, $0x9;
	_ =	sdelay $0x1  }
0x24f: {  	v8 =	vadd.f32 v8, v9;
	_ =	sdelay $0x1  }
0x250: {  	[tilespmem:v10+s19+$0x0] =	vst.idx.msk $0xffff, v8  }
0x251: {  	v8 =	vld.idx.msk [tilespmem:v11+s19+$0x0], $0xffff;
	_ =	sdelay $0x1  }
0x252: {  	s5 =	sadd.s32 $0xFFFFFFFC, s3  }
0x253: {  	v9 =	vbroadcast v7, $0xA;
	v10 =	vmov s5  }
0x254: {  	v12 =	vshll.u32 v10, $0x3  }
0x255: {  	v9 =	vmul.f32 v9, v5;
	v10 =	vand.u32 $0x7B, v10;
	v12 =	vand.u32 $0x1C00, v12  }
0x256: {  	v10 =	vor.u32 v10, v12;
	v8 =	vsub.f32 v8, v4  }
0x257: {  	v10 =	vadd.s32 v3, v10  }
0x258: {  	v8 =	vmul.f32 v8, v9;
	v9 =	vbroadcast v6, $0xA;
	_ =	sdelay $0x1  }
0x259: {  	v8 =	vadd.f32 v8, v9;
	_ =	sdelay $0x1  }
0x25a: {  	[tilespmem:v11+s19+$0x0] =	vst.idx.msk $0xffff, v8  }
0x25b: {  	v8 =	vld.idx.msk [tilespmem:v10+s19+$0x0], $0xffff;
	_ =	sdelay $0x1  }
0x25c: {  	s5 =	sadd.s32 $0xFFFFFFFD, s3  }
0x25d: {  	v9 =	vbroadcast v7, $0xB;
	v11 =	vmov s5  }
0x25e: {  	v12 =	vshll.u32 v11, $0x3  }
0x25f: {  	v9 =	vmul.f32 v9, v5;
	v11 =	vand.u32 $0x7C, v11;
	v12 =	vand.u32 $0x1C00, v12  }
0x260: {  	v11 =	vor.u32 v11, v12;
	v8 =	vsub.f32 v8, v4  }
0x261: {  	v11 =	vadd.s32 v3, v11  }
0x262: {  	v8 =	vmul.f32 v8, v9;
	v9 =	vbroadcast v6, $0xB;
	_ =	sdelay $0x1  }
0x263: {  	v8 =	vadd.f32 v8, v9;
	_ =	sdelay $0x1  }
0x264: {  	[tilespmem:v10+s19+$0x0] =	vst.idx.msk $0xffff, v8  }
0x265: {  	v8 =	vld.idx.msk [tilespmem:v11+s19+$0x0], $0xffff;
	_ =	sdelay $0x1  }
0x266: {  	s5 =	sadd.s32 $0xFFFFFFFE, s3  }
0x267: {  	v9 =	vbroadcast v7, $0xC;
	v10 =	vmov s5  }
0x268: {  	v12 =	vshll.u32 v10, $0x3  }
0x269: {  	v9 =	vmul.f32 v9, v5;
	v10 =	vand.u32 $0x7D, v10;
	v12 =	vand.u32 $0x1C00, v12  }
0x26a: {  	v10 =	vor.u32 v10, v12;
	v8 =	vsub.f32 v8, v4  }
0x26b: {  	v12 =	vbroadcast v6, $0xC;
	v10 =	vadd.s32 v3, v10  }
0x26c: {  	v8 =	vmul.f32 v8, v9;
	_ =	sdelay $0x1  }
0x26d: {  	v8 =	vadd.f32 v8, v12;
	_ =	sdelay $0x1  }
0x26e: {  	[tilespmem:v11+s19+$0x0] =	vst.idx.msk $0xffff, v8  }
0x26f: {  	v8 =	vld.idx.msk [tilespmem:v10+s19+$0x0], $0xffff;
	_ =	sdelay $0x1  }
0x270: {  	s5 =	sadd.s32 $0xFFFFFFFF, s3  }
0x271: {  	v9 =	vbroadcast v7, $0xD;
	v11 =	vmov s5  }
0x272: {  	v12 =	vshll.u32 v11, $0x3  }
0x273: {  	v9 =	vmul.f32 v9, v5;
	v11 =	vand.u32 $0x7E, v11;
	v12 =	vand.u32 $0x1C00, v12  }
0x274: {  	v11 =	vor.u32 v11, v12;
	v8 =	vsub.f32 v8, v4  }
0x275: {  	v11 =	vadd.s32 v3, v11  }
0x276: {  	v8 =	vmul.f32 v8, v9;
	v9 =	vbroadcast v6, $0xD;
	_ =	sdelay $0x1  }
0x277: {  	v8 =	vadd.f32 v8, v9;
	_ =	sdelay $0x1  }
0x278: {  	[tilespmem:v10+s19+$0x0] =	vst.idx.msk $0xffff, v8  }
0x279: {  	v8 =	vld.idx.msk [tilespmem:v11+s19+$0x0], $0xffff;
	_ =	sdelay $0x2  }
0x27a: {  	v9 =	vbroadcast v7, $0xE;
	v10 =	vmov s3;
	s3 =	smov.u32 s14  }
0x27b: {  	v12 =	vshll.u32 v10, $0x3  }
0x27c: {  	v9 =	vmul.f32 v9, v5;
	v10 =	vand.u32 $0x7F, v10;
	v12 =	vand.u32 $0x1C00, v12  }
0x27d: {  	v13 =	vsub.f32 v8, v4;
	v8 =	vor.u32 v10, v12  }
0x27e: {  	v8 =	vadd.s32 v3, v8  }
0x27f: {  	v10 =	vbroadcast v6, $0xE;
	v9 =	vmul.f32 v13, v9;
	_ =	sdelay $0x1  }
0x280: {  	v9 =	vadd.f32 v9, v10;
	_ =	sdelay $0x1  }
0x281: {  	[tilespmem:v11+s19+$0x0] =	vst.idx.msk $0xffff, v9  }
0x282: {  	v9 =	vld.idx.msk [tilespmem:v8+s19+$0x0], $0xffff;
	_ =	sdelay $0x2  }
0x283: {  	v7 =	vbroadcast v7, $0xF;
	s5 =	sadd.s32 $0xFFFFFFF1, s3  }
0x284: {  	v10 =	vmov s5  }
0x285: {  	v7 =	vmul.f32 v7, v5;
	v11 =	vshll.u32 v10, $0x3  }
.Ltmp2:
0x286: {  	v10 =	vand.u32 $0x70, v10;
	v11 =	vand.u32 $0x1C00, v11;
	v12 =	vsub.f32 v9, v4;
	(pc) =	sbr.rel @p0 .LBB2_8-.Ltmp2, $3  }
0x287: {  	v9 =	vor.u32 v10, v11  }
0x288: {  	v6 =	vbroadcast v6, $0xF;
	v9 =	vadd.s32 v3, v9;
	v7 =	vmul.f32 v12, v7;
	_ =	sdelay $0x1  }
0x289: {  	s5 =	smov.u32 s16;
	v6 =	vadd.f32 v7, v6  }
0x28a: {  	_ =	sdelay $0x3  }
0x28b: {  	s4 =	sadd.s32 $0x10, s4;
	[tilespmem:v8+s19+$0x0] =	vst.idx.msk $0xffff, v6  }
0x28c: {  	v6 =	vld [tilespmem:s4+$0x0];
	_ =	sdelay $0x1  }
0x28d: {  	v8 =	vld.idx.msk [tilespmem:v9+s19+$0x0], $0xffff  }
0x28e: {  	s14 =	sadd.s32 $0x10, s8  }
0x28f: {  	s5 =	sadd.s32 $0xFFFFFFF2, s3;
	v7 =	vld [tilespmem:s14+$0x0]  }
0x290: {  	v10 =	vmov s5;
	v11 =	vbroadcast v6, $0x0  }
0x291: {  	v12 =	vshll.u32 v10, $0x3;
	v10 =	vand.u32 $0x71, v10  }
0x292: {  	v12 =	vand.u32 $0x1C00, v12;
	v8 =	vsub.f32 v8, v4;
	v11 =	vmul.f32 v11, v5  }
0x293: {  	v10 =	vor.u32 v10, v12  }
0x294: {  	v10 =	vadd.s32 v3, v10;
	v56 =	vbroadcast v7, $0x0;
	v8 =	vmul.f32 v8, v11;
	_ =	sdelay $0x1  }
0x295: {  	v8 =	vadd.f32 v8, v56;
	_ =	sdelay $0x1  }
0x296: {  	[tilespmem:v9+s19+$0x0] =	vst.idx.msk $0xffff, v8  }
0x297: {  	v8 =	vld.idx.msk [tilespmem:v10+s19+$0x0], $0xffff  }
0x298: {  	s16 =	sadd.s32 $0xFFFFFFF3, s3  }
0x299: {  	v58 =	vmov s16  }
0x29a: {  	v59 =	vshll.u32 v58, $0x3;
	v57 =	vbroadcast v6, $0x1  }
0x29b: {  	v12 =	vand.u32 $0x1C00, v59  }
0x29c: {  	v11 =	vand.u32 $0x72, v58;
	v9 =	vmul.f32 v57, v5;
	v8 =	vsub.f32 v8, v4  }
0x29d: {  	v11 =	vor.u32 v11, v12  }
0x29e: {  	v60 =	vbroadcast v7, $0x1;
	v11 =	vadd.s32 v3, v11;
	v8 =	vmul.f32 v8, v9;
	_ =	sdelay $0x1  }
0x29f: {  	v8 =	vadd.f32 v8, v60;
	_ =	sdelay $0x1  }
0x2a0: {  	[tilespmem:v10+s19+$0x0] =	vst.idx.msk $0xffff, v8  }
0x2a1: {  	v8 =	vld.idx.msk [tilespmem:v11+s19+$0x0], $0xffff  }
0x2a2: {  	s5 =	sadd.s32 $0xFFFFFFF4, s3  }
0x2a3: {  	v62 =	vmov s5  }
0x2a4: {  	v63 =	vshll.u32 v62, $0x3;
	v61 =	vbroadcast v6, $0x2  }
0x2a5: {  	v12 =	vand.u32 $0x1C00, v63  }
0x2a6: {  	v9 =	vmul.f32 v61, v5;
	v10 =	vand.u32 $0x73, v62;
	v8 =	vsub.f32 v8, v4  }
0x2a7: {  	v10 =	vor.u32 v10, v12  }
0x2a8: {  	v15 =	vbroadcast v7, $0x2;
	v10 =	vadd.s32 v3, v10;
	v8 =	vmul.f32 v8, v9;
	_ =	sdelay $0x1  }
0x2a9: {  	v8 =	vadd.f32 v8, v15;
	_ =	sdelay $0x1  }
0x2aa: {  	[tilespmem:v11+s19+$0x0] =	vst.idx.msk $0xffff, v8  }
0x2ab: {  	v8 =	vld.idx.msk [tilespmem:v10+s19+$0x0], $0xffff  }
0x2ac: {  	s8 =	sadd.s32 $0xFFFFFFF5, s3  }
0x2ad: {  	v17 =	vmov s8  }
0x2ae: {  	v18 =	vshll.u32 v17, $0x3;
	v16 =	vbroadcast v6, $0x3  }
0x2af: {  	v12 =	vand.u32 $0x1C00, v18  }
0x2b0: {  	v9 =	vmul.f32 v16, v5;
	v11 =	vand.u32 $0x74, v17;
	v8 =	vsub.f32 v8, v4  }
0x2b1: {  	v11 =	vor.u32 v11, v12  }
0x2b2: {  	v19 =	vbroadcast v7, $0x3;
	v11 =	vadd.s32 v3, v11;
	v8 =	vmul.f32 v8, v9;
	_ =	sdelay $0x1  }
0x2b3: {  	v8 =	vadd.f32 v8, v19;
	_ =	sdelay $0x1  }
0x2b4: {  	[tilespmem:v10+s19+$0x0] =	vst.idx.msk $0xffff, v8  }
0x2b5: {  	v8 =	vld.idx.msk [tilespmem:v11+s19+$0x0], $0xffff  }
0x2b6: {  	s14 =	sadd.s32 $0xFFFFFFF6, s3  }
0x2b7: {  	v21 =	vmov s14  }
0x2b8: {  	v22 =	vshll.u32 v21, $0x3;
	v20 =	vbroadcast v6, $0x4  }
0x2b9: {  	v12 =	vand.u32 $0x1C00, v22  }
0x2ba: {  	v9 =	vmul.f32 v20, v5;
	v10 =	vand.u32 $0x75, v21;
	v8 =	vsub.f32 v8, v4  }
0x2bb: {  	v10 =	vor.u32 v10, v12  }
0x2bc: {  	v23 =	vbroadcast v7, $0x4;
	v10 =	vadd.s32 v3, v10;
	v8 =	vmul.f32 v8, v9;
	_ =	sdelay $0x1  }
0x2bd: {  	v8 =	vadd.f32 v8, v23;
	_ =	sdelay $0x1  }
0x2be: {  	[tilespmem:v11+s19+$0x0] =	vst.idx.msk $0xffff, v8  }
0x2bf: {  	v8 =	vld.idx.msk [tilespmem:v10+s19+$0x0], $0xffff  }
0x2c0: {  	s16 =	sadd.s32 $0xFFFFFFF7, s3  }
0x2c1: {  	v25 =	vmov s16  }
0x2c2: {  	v26 =	vshll.u32 v25, $0x3;
	v24 =	vbroadcast v6, $0x5  }
0x2c3: {  	v12 =	vand.u32 $0x1C00, v26  }
0x2c4: {  	v9 =	vmul.f32 v24, v5;
	v11 =	vand.u32 $0x76, v25;
	v8 =	vsub.f32 v8, v4  }
0x2c5: {  	v11 =	vor.u32 v11, v12  }
0x2c6: {  	v27 =	vbroadcast v7, $0x5;
	v11 =	vadd.s32 v3, v11;
	v8 =	vmul.f32 v8, v9;
	_ =	sdelay $0x1  }
0x2c7: {  	v8 =	vadd.f32 v8, v27;
	_ =	sdelay $0x1  }
0x2c8: {  	[tilespmem:v10+s19+$0x0] =	vst.idx.msk $0xffff, v8  }
0x2c9: {  	v8 =	vld.idx.msk [tilespmem:v11+s19+$0x0], $0xffff  }
0x2ca: {  	s5 =	sadd.s32 $0xFFFFFFF8, s3  }
0x2cb: {  	v29 =	vmov s5  }
0x2cc: {  	v30 =	vshll.u32 v29, $0x3;
	v28 =	vbroadcast v6, $0x6  }
0x2cd: {  	v12 =	vand.u32 $0x1C00, v30  }
0x2ce: {  	v9 =	vmul.f32 v28, v5;
	v10 =	vand.u32 $0x77, v29;
	v8 =	vsub.f32 v8, v4  }
0x2cf: {  	v10 =	vor.u32 v10, v12  }
0x2d0: {  	v31 =	vbroadcast v7, $0x6;
	v10 =	vadd.s32 v3, v10;
	v8 =	vmul.f32 v8, v9;
	_ =	sdelay $0x1  }
0x2d1: {  	v8 =	vadd.f32 v8, v31;
	_ =	sdelay $0x1  }
0x2d2: {  	[tilespmem:v11+s19+$0x0] =	vst.idx.msk $0xffff, v8  }
0x2d3: {  	v8 =	vld.idx.msk [tilespmem:v10+s19+$0x0], $0xffff  }
0x2d4: {  	s8 =	sadd.s32 $0xFFFFFFF9, s3  }
0x2d5: {  	v33 =	vmov s8  }
0x2d6: {  	v34 =	vshll.u32 v33, $0x3;
	v32 =	vbroadcast v6, $0x7  }
0x2d7: {  	v12 =	vand.u32 $0x1C00, v34  }
0x2d8: {  	v9 =	vmul.f32 v32, v5;
	v11 =	vand.u32 $0x78, v33;
	v8 =	vsub.f32 v8, v4  }
0x2d9: {  	v11 =	vor.u32 v11, v12  }
0x2da: {  	v35 =	vbroadcast v7, $0x7;
	v11 =	vadd.s32 v3, v11;
	v8 =	vmul.f32 v8, v9;
	_ =	sdelay $0x1  }
0x2db: {  	v8 =	vadd.f32 v8, v35;
	_ =	sdelay $0x1  }
0x2dc: {  	[tilespmem:v10+s19+$0x0] =	vst.idx.msk $0xffff, v8  }
0x2dd: {  	v8 =	vld.idx.msk [tilespmem:v11+s19+$0x0], $0xffff  }
0x2de: {  	s14 =	sadd.s32 $0xFFFFFFFA, s3  }
0x2df: {  	v37 =	vmov s14  }
0x2e0: {  	v38 =	vshll.u32 v37, $0x3;
	v36 =	vbroadcast v6, $0x8  }
0x2e1: {  	v12 =	vand.u32 $0x1C00, v38  }
0x2e2: {  	v9 =	vmul.f32 v36, v5;
	v10 =	vand.u32 $0x79, v37;
	v8 =	vsub.f32 v8, v4  }
0x2e3: {  	v10 =	vor.u32 v10, v12  }
0x2e4: {  	v39 =	vbroadcast v7, $0x8;
	v10 =	vadd.s32 v3, v10;
	v8 =	vmul.f32 v8, v9;
	_ =	sdelay $0x1  }
0x2e5: {  	v8 =	vadd.f32 v8, v39;
	_ =	sdelay $0x1  }
0x2e6: {  	[tilespmem:v11+s19+$0x0] =	vst.idx.msk $0xffff, v8  }
0x2e7: {  	v8 =	vld.idx.msk [tilespmem:v10+s19+$0x0], $0xffff  }
0x2e8: {  	s16 =	sadd.s32 $0xFFFFFFFB, s3  }
0x2e9: {  	v41 =	vmov s16  }
0x2ea: {  	v42 =	vshll.u32 v41, $0x3;
	v40 =	vbroadcast v6, $0x9  }
0x2eb: {  	v12 =	vand.u32 $0x1C00, v42  }
0x2ec: {  	v9 =	vmul.f32 v40, v5;
	v11 =	vand.u32 $0x7A, v41;
	v8 =	vsub.f32 v8, v4  }
0x2ed: {  	v11 =	vor.u32 v11, v12  }
0x2ee: {  	v43 =	vbroadcast v7, $0x9;
	v11 =	vadd.s32 v3, v11;
	v8 =	vmul.f32 v8, v9;
	_ =	sdelay $0x1  }
0x2ef: {  	v8 =	vadd.f32 v8, v43;
	_ =	sdelay $0x1  }
0x2f0: {  	[tilespmem:v10+s19+$0x0] =	vst.idx.msk $0xffff, v8  }
0x2f1: {  	v8 =	vld.idx.msk [tilespmem:v11+s19+$0x0], $0xffff  }
0x2f2: {  	s5 =	sadd.s32 $0xFFFFFFFC, s3  }
0x2f3: {  	v45 =	vmov s5  }
0x2f4: {  	v46 =	vshll.u32 v45, $0x3;
	v44 =	vbroadcast v6, $0xA  }
0x2f5: {  	v12 =	vand.u32 $0x1C00, v46  }
0x2f6: {  	v9 =	vmul.f32 v44, v5;
	v10 =	vand.u32 $0x7B, v45;
	v8 =	vsub.f32 v8, v4  }
0x2f7: {  	v10 =	vor.u32 v10, v12  }
0x2f8: {  	v47 =	vbroadcast v7, $0xA;
	v10 =	vadd.s32 v3, v10;
	v8 =	vmul.f32 v8, v9;
	_ =	sdelay $0x1  }
0x2f9: {  	v8 =	vadd.f32 v8, v47;
	_ =	sdelay $0x1  }
0x2fa: {  	[tilespmem:v11+s19+$0x0] =	vst.idx.msk $0xffff, v8  }
0x2fb: {  	v8 =	vld.idx.msk [tilespmem:v10+s19+$0x0], $0xffff  }
0x2fc: {  	s8 =	sadd.s32 $0xFFFFFFFD, s3  }
0x2fd: {  	v49 =	vmov s8  }
0x2fe: {  	v50 =	vshll.u32 v49, $0x3;
	v48 =	vbroadcast v6, $0xB  }
0x2ff: {  	v12 =	vand.u32 $0x1C00, v50  }
0x300: {  	v9 =	vmul.f32 v48, v5;
	v11 =	vand.u32 $0x7C, v49;
	v8 =	vsub.f32 v8, v4  }
0x301: {  	v11 =	vor.u32 v11, v12  }
0x302: {  	v51 =	vbroadcast v7, $0xB;
	v11 =	vadd.s32 v3, v11;
	v8 =	vmul.f32 v8, v9;
	_ =	sdelay $0x1  }
0x303: {  	v8 =	vadd.f32 v8, v51;
	_ =	sdelay $0x1  }
0x304: {  	[tilespmem:v10+s19+$0x0] =	vst.idx.msk $0xffff, v8  }
0x305: {  	v8 =	vld.idx.msk [tilespmem:v11+s19+$0x0], $0xffff  }
0x306: {  	s14 =	sadd.s32 $0xFFFFFFFE, s3  }
0x307: {  	v53 =	vmov s14  }
0x308: {  	v54 =	vshll.u32 v53, $0x3;
	v52 =	vbroadcast v6, $0xC  }
0x309: {  	v12 =	vand.u32 $0x1C00, v54  }
0x30a: {  	v9 =	vmul.f32 v52, v5;
	v10 =	vand.u32 $0x7D, v53;
	v8 =	vsub.f32 v8, v4  }
0x30b: {  	v10 =	vor.u32 v10, v12  }
0x30c: {  	v55 =	vbroadcast v7, $0xC;
	v10 =	vadd.s32 v3, v10;
	v8 =	vmul.f32 v8, v9;
	_ =	sdelay $0x1  }
0x30d: {  	v8 =	vadd.f32 v8, v55;
	_ =	sdelay $0x1  }
0x30e: {  	[tilespmem:v11+s19+$0x0] =	vst.idx.msk $0xffff, v8  }
0x30f: {  	v8 =	vld.idx.msk [tilespmem:v10+s19+$0x0], $0xffff  }
0x310: {  	s16 =	sadd.s32 $0xFFFFFFFF, s3  }
0x311: {  	v57 =	vmov s16  }
0x312: {  	v56 =	vbroadcast v6, $0xD;
	v58 =	vshll.u32 v57, $0x3  }
0x313: {  	v12 =	vand.u32 $0x1C00, v58  }
0x314: {  	v9 =	vmul.f32 v56, v5;
	v11 =	vand.u32 $0x7E, v57;
	v8 =	vsub.f32 v8, v4  }
0x315: {  	v11 =	vor.u32 v11, v12  }
0x316: {  	v59 =	vbroadcast v7, $0xD;
	v11 =	vadd.s32 v3, v11;
	v8 =	vmul.f32 v8, v9;
	_ =	sdelay $0x1  }
0x317: {  	v8 =	vadd.f32 v8, v59;
	_ =	sdelay $0x1  }
0x318: {  	[tilespmem:v10+s19+$0x0] =	vst.idx.msk $0xffff, v8  }
0x319: {  	v8 =	vld.idx.msk [tilespmem:v11+s19+$0x0], $0xffff;
	_ =	sdelay $0x1  }
0x31a: {  	v61 =	vmov s3  }
0x31b: {  	v60 =	vbroadcast v6, $0xE;
	v62 =	vshll.u32 v61, $0x3  }
0x31c: {  	v12 =	vand.u32 $0x1C00, v62  }
0x31d: {  	v9 =	vmul.f32 v60, v5;
	v10 =	vand.u32 $0x7F, v61;
	v8 =	vsub.f32 v8, v4  }
0x31e: {  	v10 =	vor.u32 v10, v12  }
0x31f: {  	v63 =	vbroadcast v7, $0xE;
	v10 =	vadd.s32 v3, v10;
	v8 =	vmul.f32 v8, v9;
	_ =	sdelay $0x1  }
0x320: {  	v8 =	vadd.f32 v8, v63;
	_ =	sdelay $0x1  }
0x321: {  	[tilespmem:v11+s19+$0x0] =	vst.idx.msk $0xffff, v8  }
0x322: {  	v8 =	vld.idx.msk [tilespmem:v10+s19+$0x0], $0xffff;
	_ =	sdelay $0x2  }
0x323: {  	v6 =	vbroadcast v6, $0xF;
	_ =	sdelay $0x1  }
0x324: {  	v5 =	vmul.f32 v6, v5;
	v4 =	vsub.f32 v8, v4;
	_ =	sdelay $0x1  }
0x325: {  	v4 =	vmul.f32 v4, v5;
	v5 =	vbroadcast v7, $0xF;
	_ =	sdelay $0x1  }
0x326: {  	s31 =	smul.u32 $0x300, s31;
	s30 =	sadd.s32 $0x1, s30;
	v4 =	vadd.f32 v4, v5  }
0x327: {  	p0 =	sne.s32 s30, $0x20  }
.Ltmp3:
0x328: {  	s3 =	sadd.s32 s6, s31;
	[tilespmem:v10+s19+$0x0] =	vst.idx.msk $0xffff, v4;
	(pc) =	sbr.rel @p0 .LBB2_5-.Ltmp3, $4  }
0x329: {  	[hbm4b:s3+s7] =	stream.linear.scatter [tilespmem:s19], [sflag:$0x2], $0x3000, $0x38;
	[tilespmem:$0x6980] =	vst v63  }
0x32a: {  	_ =	swait.ge [sflag:s15], $0x3000  }
0x32b: {  	[sflag:s15] =	ssyncset.done $0x0  }
0x32c: {  	[sflag:s15] =	ssyncadd.s32 $0xFFFFD000  }
0x32d: {  	s28 =	sadd.s32 $0x1, s28  }
0x32e: {  	p0 =	sne.s32 s28, $0x8  }
.Ltmp4:
0x32f: {  	_ = 	snop;
	(pc) =	sbr.rel @p0 .LBB2_2-.Ltmp4, $1  }
0x330: {  	_ =	sdelay $0x3  }
0x331: {  	s26 =	sadd.s32 $0x1, s26  }
0x332: {  	p0 =	sne.s32 s26, s13  }
.Ltmp5:
0x333: {  	_ = 	snop;
	(pc) =	sbr.rel @p0 .LBB2_1-.Ltmp5, $1  }
0x334: {  	_ =	sdelay $0x3  }
0x335: {  	_ =	sfence.sel $0x180000  }
0x336: {  	[bflag:$0x0] =	sbarrier.arrive $0xFFFF  }
0x337: {  	_ =	strace $0x90000047  }
0x338: {  	s0 =	stileid.u32;
	[bflag:$0x2] =	sbarrier.arrive $0xFFFF  }
0x339: {  	p0 =	sne.s32 s0, $0x0;
	s0 =	rddreg [dreg:$0x6]  }
0x33a: {  	s0 =	sadd.s32 @!p0 $0x100000, s0  }
0x33b: {  	[sflag:s0] =	ssyncadd.tile.s32 @!p0 $0x1;
	_ =	shalt  }
.Lfunc_end2:
_tile_overlayer_lowered:
.L_overlay_start_2:
0x33c: {  	(tag) =	ssettag $0x2  }
0x33d: {  	s0 =	rddreg [dreg:$0x0];
	s2 =	stileid.u32  }
0x33e: {  	s1 =	rddreg [dreg:$0x1];
	p0 =	sne.s32 s2, $0x0  }
0x33f: {  	s3 =	rddreg [dreg:$0x2];
	[bflag:$0x3] =	sbarrier.arrive $0xFFFF;
	s2 =	simm.s32 @!p0 $0x1C02  }
0x340: {  	[timem:s3], [sflag:s2] =	dma.local @!p0 [hbm:s0], s1  }
0x341: {  	s0 =	simm.s32 @!p0 $0x2  }
0x342: {  	_ =	swait.ge @!p0 [sflag:s0], s1  }
0x343: {  	s1 =	ssub.s32 @!p0 $0x0, s1;
	[sflag:s0] =	ssyncset.done @!p0 $0x0  }
0x344: {  	[sflag:s0] =	ssyncadd.s32 @!p0 s1  }
0x345: {  	[bflag:$0x3] =	sbarrier.arrive $0xFFFF  }
0x346: {  	_ =	shalt  }

</sc_bundles>
